<compile_context>
chip_gen: v7x
topology: tpu7x:2x2x1
jax: 0.10.2.dev20260603
libtpu: 0.0.44.dev20260713+nightly
codegen_flags: <defaults>
</compile_context>

<pallas_src>
import functools

import numpy as np
import jax
import jax.numpy as jnp
from jax import lax
from jax.experimental import pallas as pl
from jax.experimental.pallas import tpu as pltpu
from jax.experimental.pallas import tpu_sc as plsc

_N = 512
_D = 64
_E = _N * (_N - 1)
_H = _E // 2
_NC = 2
_NS = 16
_NW = _NC * _NS
_PW = _H // _NS
_CHUNK = 8192
_NCH_MAX = 8
_WIN = _NCH_MAX * _CHUNK


def _gather_plan():
    iu, ju = np.triu_indices(_N, k=1)
    lin = (iu * _N + ju).astype(np.int64)
    los, nchs, lidx = [], [], []
    for u in range(_NS):
        seg = lin[u * _PW:(u + 1) * _PW]
        end = -(-int(seg[-1] + 1) // 8) * 8
        size = end - (int(seg[0]) // 8) * 8
        nch = -(-size // _CHUNK)
        lo = max(0, end - nch * _CHUNK)
        los.append(lo)
        nchs.append(nch)
        lidx.append(seg - lo)
    return los, nchs, np.asarray(lidx, np.int32)


_LOS, _NCHS, _LIDX = _gather_plan()


def _dense_body(nodes_ref, wp_ref, wq_ref, b1r_ref,
                w2_ref, b2s_ref,
                a0n_ref, a0b1r_ref, a0e_ref, a0w2_ref, a0b2_ref,
                c0W_ref, c0br_ref,
                a1n_ref, a1b1r_ref, a1e_ref, a1w2_ref, a1b2_ref,
                c1W_ref, c1br_ref,
                nodes2_ref, AT_ref):
    nodes = nodes_ref[...]
    Pb = jnp.dot(nodes, wp_ref[...], preferred_element_type=jnp.float32) + b1r_ref[...]
    QT = lax.dot_general(wq_ref[...], nodes, (((0,), (1,)), ((), ())),
                         preferred_element_type=jnp.float32)

    hs = [jnp.maximum(Pb[:, c:c + 1] + QT[c:c + 1, :], 0.0) for c in range(8)]

    def attn(x, an_ref, ab1r_ref, ae_ref, aw2_ref, ab2_ref):
        ub = jnp.dot(x, an_ref[...], preferred_element_type=jnp.float32) + ab1r_ref[...]
        pres = []
        for e in range(2):
            bf = b2s_ref[0] * ae_ref[0, e]
            for d in range(1, 4):
                bf = bf + b2s_ref[d] * ae_ref[d, e]
            s = ub[:, e:e + 1] + bf
            for c in range(8):
                m = w2_ref[c, 0] * ae_ref[0, e]
                for d in range(1, 4):
                    m = m + w2_ref[c, d] * ae_ref[d, e]
                s = s + hs[c] * m
            pres.append(jnp.maximum(s, 0.0))
        logit = pres[0] * aw2_ref[0] + pres[1] * aw2_ref[1] + ab2_ref[0]
        return 1.0 / (1.0 + jnp.exp(-logit))

    ri = lax.broadcasted_iota(jnp.int32, (_N, _N), 0)
    ci = lax.broadcasted_iota(jnp.int32, (_N, _N), 1)
    offdiag = ri != ci

    def conv(x, A, W_ref, br_ref):
        y = jnp.dot(x, W_ref[...], preferred_element_type=jnp.float32) + br_ref[...]
        Am = jnp.where(offdiag, A, 0.0)
        return lax.dot_general(Am, y, (((0,), (0,)), ((), ())),
                               preferred_element_type=jnp.float32)

    A0 = attn(nodes, a0n_ref, a0b1r_ref, a0e_ref, a0w2_ref, a0b2_ref)
    nodes1 = jnp.maximum(conv(nodes, A0, c0W_ref, c0br_ref), 0.0)
    A1 = attn(nodes1, a1n_ref, a1b1r_ref, a1e_ref, a1w2_ref, a1b2_ref)
    nodes2_ref[...] = conv(nodes1, A1, c1W_ref, c1br_ref)
    AT_ref[0, :, :] = A1
    AT_ref[1, :, :] = A1.T


_VMEM = pl.BlockSpec(memory_space=pltpu.VMEM)
_SMEM = pl.BlockSpec(memory_space=pltpu.SMEM)

_dense_call = pl.pallas_call(
    _dense_body,
    out_shape=(jax.ShapeDtypeStruct((_N, _D), jnp.float32),
               jax.ShapeDtypeStruct((2, _N, _N), jnp.float32)),
    in_specs=[_VMEM, _VMEM, _VMEM, _VMEM,
              _SMEM, _SMEM,
              _VMEM, _VMEM, _SMEM, _SMEM, _SMEM,
              _VMEM, _VMEM,
              _VMEM, _VMEM, _SMEM, _SMEM, _SMEM,
              _VMEM, _VMEM],
    out_specs=(_VMEM, _VMEM),
)


@functools.cache
def _sc_gather_call():
    @functools.partial(
        pl.kernel,
        mesh=plsc.VectorSubcoreMesh(core_axis_name="c", subcore_axis_name="s",
                                    num_cores=_NC),
        compiler_params=pltpu.CompilerParams(needs_layout_passes=False),
        out_type=jax.ShapeDtypeStruct((_E,), jnp.float32),
        scratch_types=[
            pltpu.VMEM((_WIN,), jnp.float32),
            pltpu.VMEM((_PW,), jnp.int32),
            pltpu.VMEM((_PW,), jnp.float32),
            pltpu.SemaphoreType.DMA,
            pltpu.SemaphoreType.DMA,
        ],
    )
    def _sc_gather(table_hbm, lidx_hbm, out_hbm, win_v, idx_v, out_v,
                   wsem, isem):
        wid = lax.axis_index("s") * _NC + lax.axis_index("c")
        u16 = jnp.where(wid >= _NS, wid - _NS, wid)
        lo = jnp.int32(_LOS[0])
        nch = jnp.int32(_NCHS[0])
        for u in range(1, _NS):
            lo = jnp.where(u16 == u, _LOS[u], lo)
            nch = jnp.where(u16 == u, _NCHS[u], nch)
        lo = lo + jnp.where(wid >= _NS, _N * _N, 0)

        icp = pltpu.async_copy(lidx_hbm.at[u16], idx_v, isem)

        def fire(k, c):
            off = pl.multiple_of(lo + k * _CHUNK, 8)
            pltpu.async_copy(table_hbm.at[pl.ds(off, _CHUNK)],
                             win_v.at[pl.ds(k * _CHUNK, _CHUNK)], wsem)
            return c

        def drain(k, c):
            pltpu.make_async_copy(table_hbm.at[pl.ds(0, _CHUNK)],
                                  win_v.at[pl.ds(0, _CHUNK)], wsem).wait()
            return c

        lax.fori_loop(0, nch, fire, 0)
        icp.wait()
        lax.fori_loop(0, nch, drain, 0)

        def gat(k, c):
            for b in range(7):
                iv = idx_v[pl.ds((k * 7 + b) * 16, 16)]
                out_v[pl.ds((k * 7 + b) * 16, 16)] = plsc.load_gather(win_v, [iv])
            return c

        lax.fori_loop(0, _PW // (16 * 7), gat, 0)
        obase = pl.multiple_of(wid * _PW, 8)
        pltpu.sync_copy(out_v, out_hbm.at[pl.ds(obase, _PW)])

    return _sc_gather


def kernel(z, eg_W1, eg_b1, eg_W2, eg_b2, att0_W1, att0_b1, att0_W2, att0_b2,
           att1_W1, att1_b1, att1_W2, att1_b2, conv0_W, conv0_b, conv1_W,
           conv1_b, edge_index):
    nodes = z.reshape(_N, _D)
    nodes2, AT = _dense_call(
        nodes,
        eg_W1[:_D], eg_W1[_D:], eg_b1.reshape(1, -1),
        eg_W2, eg_b2,
        att0_W1[4:], att0_b1.reshape(1, -1), att0_W1[:4], att0_W2[:, 0], att0_b2,
        conv0_W, conv0_b.reshape(1, -1),
        att1_W1[4:], att1_b1.reshape(1, -1), att1_W1[:4], att1_W2[:, 0], att1_b2,
        conv1_W, conv1_b.reshape(1, -1),
    )
    att_flat = _sc_gather_call()(AT.reshape(2 * _N * _N), jnp.asarray(_LIDX))
    return nodes2, att_flat.reshape(_E, 1)

# --- scband reference (transcript-rebuilt; emitter-appended) ---
"""Pipeline reference for scband-mpgg-36979668418588 (READ-ONLY COPY).

The authoritative reference and input builder live on the scoring server;
editing this copy changes nothing except your own understanding.
"""

import jax, jax.numpy as jnp
import numpy as np

N = 512
D = 64
EDGE_DIM = 4


def _mlp2(x, W1, b1, W2, b2):
    return jax.nn.relu(x @ W1 + b1) @ W2 + b2


def setup_inputs(seed: int = 0):
    key = jax.random.key(seed)
    ks = jax.random.split(key, 12)

    def gl(k, shape):
        return jax.random.uniform(k, shape, dtype=jnp.float32, minval=-1.0, maxval=1.0) / np.sqrt(shape[0])

    inp = {}
    inp["z"] = jax.random.normal(ks[0], (1, N * D), dtype=jnp.float32)
    # edge generator MLP: [2*D, 2*EDGE_DIM, EDGE_DIM]
    inp["eg_W1"] = gl(ks[1], (2 * D, 2 * EDGE_DIM))
    inp["eg_b1"] = jnp.zeros((2 * EDGE_DIM,), jnp.float32)
    inp["eg_W2"] = gl(ks[2], (2 * EDGE_DIM, EDGE_DIM))
    inp["eg_b2"] = jnp.zeros((EDGE_DIM,), jnp.float32)
    # attention MLPs: [EDGE_DIM + D, EDGE_DIM // 2, 1] (one per conv; only first 2 are used)
    inp["att0_W1"] = gl(ks[3], (EDGE_DIM + D, EDGE_DIM // 2))
    inp["att0_b1"] = jnp.zeros((EDGE_DIM // 2,), jnp.float32)
    inp["att0_W2"] = gl(ks[4], (EDGE_DIM // 2, 1))
    inp["att0_b2"] = jnp.zeros((1,), jnp.float32)
    inp["att1_W1"] = gl(ks[5], (EDGE_DIM + D, EDGE_DIM // 2))
    inp["att1_b1"] = jnp.zeros((EDGE_DIM // 2,), jnp.float32)
    inp["att1_W2"] = gl(ks[6], (EDGE_DIM // 2, 1))
    inp["att1_b2"] = jnp.zeros((1,), jnp.float32)
    # conv linear transforms: layers[i] -> layers[i+1]
    inp["conv0_W"] = gl(ks[7], (D, D))
    inp["conv0_b"] = jnp.zeros((D,), jnp.float32)
    inp["conv1_W"] = gl(ks[8], (D, D))
    inp["conv1_b"] = jnp.zeros((D,), jnp.float32)
    # edge_index = vstack(combinations(arange(N), 2), reversed).T  -> [2, N*(N-1)]
    iu, ju = np.triu_indices(N, k=1)
    a = np.stack([iu, ju], axis=1)
    b = a[:, [1, 0]]
    ei = np.vstack([a, b]).T
    inp["edge_index"] = jnp.asarray(ei, dtype=jnp.int32)
    return inp


def _forward(z, eg_W1, eg_b1, eg_W2, eg_b2, att0_W1, att0_b1, att0_W2, att0_b2,
             att1_W1, att1_b1, att1_W2, att1_b2, conv0_W, conv0_b, conv1_W, conv1_b,
             edge_index):
    nodes = z.reshape(N, -1)
    src = edge_index[0]
    dst = edge_index[1]
    # generate edge features from gathered node pairs
    nodepairs = jnp.concatenate([jnp.take(nodes, src, axis=0), jnp.take(nodes, dst, axis=0)], axis=1)
    edges = _mlp2(nodepairs, eg_W1, eg_b1, eg_W2, eg_b2)

    def edge_conv(x, aW1, ab1, aW2, ab2, W, b):
        x_src = jnp.take(x, src, axis=0)
        att_in = jnp.concatenate([edges, x_src], axis=1)
        att = jax.nn.sigmoid(_mlp2(att_in, aW1, ab1, aW2, ab2))  # [E, 1]
        msg = jnp.take(x @ W + b, src, axis=0) * att
        out = jax.ops.segment_sum(msg, dst, num_segments=N)
        return out, att

    nodes1, _ = edge_conv(nodes, att0_W1, att0_b1, att0_W2, att0_b2, conv0_W, conv0_b)
    nodes1 = jax.nn.relu(nodes1)
    nodes2, attentions = edge_conv(nodes1, att1_W1, att1_b1, att1_W2, att1_b2, conv1_W, conv1_b)
    return nodes2, attentions


def reference(z, eg_W1, eg_b1, eg_W2, eg_b2, att0_W1, att0_b1, att0_W2, att0_b2,
              att1_W1, att1_b1, att1_W2, att1_b2, conv0_W, conv0_b, conv1_W, conv1_b,
              edge_index):
    return _forward(z, eg_W1, eg_b1, eg_W2, eg_b2, att0_W1, att0_b1, att0_W2, att0_b2,
                    att1_W1, att1_b1, att1_W2, att1_b2, conv0_W, conv0_b, conv1_W, conv1_b,
                    edge_index)

if __name__ == "__main__":
    import jax
    _d = setup_inputs()
    print(jax.jit(kernel)(*tuple(_d.values())))

</pallas_src>

<mosaic_0001>
#map = affine_map<(d0, d1) -> (0)>
#map1 = affine_map<(d0, d1) -> (0, 0)>
module attributes {stable_mosaic.version = 14 : i64} {
  func.func @_sc_gather(%arg0: i32, %arg1: i32, %arg2: memref<524288xf32, #tpu.memory_space<hbm>>, %arg3: memref<16x8176xi32, #tpu.memory_space<hbm>>, %arg4: memref<261632xf32, #tpu.memory_space<hbm>>, %arg5: memref<65536xf32, #tpu.memory_space<vmem>>, %arg6: memref<8176xi32, #tpu.memory_space<vmem>>, %arg7: memref<8176xf32, #tpu.memory_space<vmem>>, %arg8: memref<!tpu.dma_semaphore, #tpu.memory_space<semaphore_mem>>, %arg9: memref<!tpu.dma_semaphore, #tpu.memory_space<semaphore_mem>>) attributes {dimension_semantics = [#tpu.dimension_semantics<core_parallel>, #tpu.dimension_semantics<subcore_parallel>], iteration_bounds = array<i64: 2, 16>, scalar_prefetch = 0 : i64, scratch_operands = 5 : i64, tpu.core_type = #tpu.core_type<sc_vector_subcore>, window_params = [{transform_indices = #map}, {transform_indices = #map1}, {transform_indices = #map}]} {
    %mul3A = arith.constant 2 : i32
    %mul3A_0 = arith.muli %arg1, %mul3A : i32
    %add3A = arith.addi %mul3A_0, %arg0 : i32
    %ge3A = arith.constant 16 : i32
    %ge3A_1 = arith.cmpi sge, %add3A, %ge3A : i32
    %sub3A = arith.constant 16 : i32
    %sub3A_2 = arith.subi %add3A, %sub3A : i32
    %select_n3A = arith.select %ge3A_1, %sub3A_2, %add3A : i32
    %eq3A = arith.constant 1 : i32
    %eq3A_3 = arith.cmpi eq, %select_n3A, %eq3A : i32
    %jit3A = arith.constant 568 : i32
    %jit3A_4 = arith.constant 0 : i32
    %select_n3A_5 = arith.select %eq3A_3, %jit3A, %jit3A_4 : i32
    %eq3A_6 = arith.constant 1 : i32
    %eq3A_7 = arith.cmpi eq, %select_n3A, %eq3A_6 : i32
    %jit3A_8 = arith.constant 2 : i32
    %jit3A_9 = arith.constant 2 : i32
    %select_n3A_10 = arith.select %eq3A_7, %jit3A_8, %jit3A_9 : i32
    %eq3A_11 = arith.constant 2 : i32
    %eq3A_12 = arith.cmpi eq, %select_n3A, %eq3A_11 : i32
    %jit3A_13 = arith.constant 9472 : i32
    %select_n3A_14 = arith.select %eq3A_12, %jit3A_13, %select_n3A_5 : i32
    %eq3A_15 = arith.constant 2 : i32
    %eq3A_16 = arith.cmpi eq, %select_n3A, %eq3A_15 : i32
    %jit3A_17 = arith.constant 2 : i32
    %select_n3A_18 = arith.select %eq3A_16, %jit3A_17, %select_n3A_10 : i32
    %eq3A_19 = arith.constant 3 : i32
    %eq3A_20 = arith.cmpi eq, %select_n3A, %eq3A_19 : i32
    %jit3A_21 = arith.constant 18736 : i32
    %select_n3A_22 = arith.select %eq3A_20, %jit3A_21, %select_n3A_14 : i32
    %eq3A_23 = arith.constant 3 : i32
    %eq3A_24 = arith.cmpi eq, %select_n3A, %eq3A_23 : i32
    %jit3A_25 = arith.constant 2 : i32
    %select_n3A_26 = arith.select %eq3A_24, %jit3A_25, %select_n3A_18 : i32
    %eq3A_27 = arith.constant 4 : i32
    %eq3A_28 = arith.cmpi eq, %select_n3A, %eq3A_27 : i32
    %jit3A_29 = arith.constant 28416 : i32
    %select_n3A_30 = arith.select %eq3A_28, %jit3A_29, %select_n3A_22 : i32
    %eq3A_31 = arith.constant 4 : i32
    %eq3A_32 = arith.cmpi eq, %select_n3A, %eq3A_31 : i32
    %jit3A_33 = arith.constant 2 : i32
    %select_n3A_34 = arith.select %eq3A_32, %jit3A_33, %select_n3A_26 : i32
    %eq3A_35 = arith.constant 5 : i32
    %eq3A_36 = arith.cmpi eq, %select_n3A, %eq3A_35 : i32
    %jit3A_37 = arith.constant 38560 : i32
    %select_n3A_38 = arith.select %eq3A_36, %jit3A_37, %select_n3A_30 : i32
    %eq3A_39 = arith.constant 5 : i32
    %eq3A_40 = arith.cmpi eq, %select_n3A, %eq3A_39 : i32
    %jit3A_41 = arith.constant 2 : i32
    %select_n3A_42 = arith.select %eq3A_40, %jit3A_41, %select_n3A_34 : i32
    %eq3A_43 = arith.constant 6 : i32
    %eq3A_44 = arith.cmpi eq, %select_n3A, %eq3A_43 : i32
    %jit3A_45 = arith.constant 49104 : i32
    %select_n3A_46 = arith.select %eq3A_44, %jit3A_45, %select_n3A_38 : i32
    %eq3A_47 = arith.constant 6 : i32
    %eq3A_48 = arith.cmpi eq, %select_n3A, %eq3A_47 : i32
    %jit3A_49 = arith.constant 2 : i32
    %select_n3A_50 = arith.select %eq3A_48, %jit3A_49, %select_n3A_42 : i32
    %eq3A_51 = arith.constant 7 : i32
    %eq3A_52 = arith.cmpi eq, %select_n3A, %eq3A_51 : i32
    %jit3A_53 = arith.constant 60352 : i32
    %select_n3A_54 = arith.select %eq3A_52, %jit3A_53, %select_n3A_46 : i32
    %eq3A_55 = arith.constant 7 : i32
    %eq3A_56 = arith.cmpi eq, %select_n3A, %eq3A_55 : i32
    %jit3A_57 = arith.constant 2 : i32
    %select_n3A_58 = arith.select %eq3A_56, %jit3A_57, %select_n3A_50 : i32
    %eq3A_59 = arith.constant 8 : i32
    %eq3A_60 = arith.cmpi eq, %select_n3A, %eq3A_59 : i32
    %jit3A_61 = arith.constant 72432 : i32
    %select_n3A_62 = arith.select %eq3A_60, %jit3A_61, %select_n3A_54 : i32
    %eq3A_63 = arith.constant 8 : i32
    %eq3A_64 = arith.cmpi eq, %select_n3A, %eq3A_63 : i32
    %jit3A_65 = arith.constant 2 : i32
    %select_n3A_66 = arith.select %eq3A_64, %jit3A_65, %select_n3A_58 : i32
    %eq3A_67 = arith.constant 9 : i32
    %eq3A_68 = arith.cmpi eq, %select_n3A, %eq3A_67 : i32
    %jit3A_69 = arith.constant 85280 : i32
    %select_n3A_70 = arith.select %eq3A_68, %jit3A_69, %select_n3A_62 : i32
    %eq3A_71 = arith.constant 9 : i32
    %eq3A_72 = arith.cmpi eq, %select_n3A, %eq3A_71 : i32
    %jit3A_73 = arith.constant 2 : i32
    %select_n3A_74 = arith.select %eq3A_72, %jit3A_73, %select_n3A_66 : i32
    %eq3A_75 = arith.constant 10 : i32
    %eq3A_76 = arith.cmpi eq, %select_n3A, %eq3A_75 : i32
    %jit3A_77 = arith.constant 99208 : i32
    %select_n3A_78 = arith.select %eq3A_76, %jit3A_77, %select_n3A_70 : i32
    %eq3A_79 = arith.constant 10 : i32
    %eq3A_80 = arith.cmpi eq, %select_n3A, %eq3A_79 : i32
    %jit3A_81 = arith.constant 2 : i32
    %select_n3A_82 = arith.select %eq3A_80, %jit3A_81, %select_n3A_74 : i32
    %eq3A_83 = arith.constant 11 : i32
    %eq3A_84 = arith.cmpi eq, %select_n3A, %eq3A_83 : i32
    %jit3A_85 = arith.constant 114624 : i32
    %select_n3A_86 = arith.select %eq3A_84, %jit3A_85, %select_n3A_78 : i32
    %eq3A_87 = arith.constant 11 : i32
    %eq3A_88 = arith.cmpi eq, %select_n3A, %eq3A_87 : i32
    %jit3A_89 = arith.constant 2 : i32
    %select_n3A_90 = arith.select %eq3A_88, %jit3A_89, %select_n3A_82 : i32
    %eq3A_91 = arith.constant 12 : i32
    %eq3A_92 = arith.cmpi eq, %select_n3A, %eq3A_91 : i32
    %jit3A_93 = arith.constant 124200 : i32
    %select_n3A_94 = arith.select %eq3A_92, %jit3A_93, %select_n3A_86 : i32
    %eq3A_95 = arith.constant 12 : i32
    %eq3A_96 = arith.cmpi eq, %select_n3A, %eq3A_95 : i32
    %jit3A_97 = arith.constant 3 : i32
    %select_n3A_98 = arith.select %eq3A_96, %jit3A_97, %select_n3A_90 : i32
    %eq3A_99 = arith.constant 13 : i32
    %eq3A_100 = arith.cmpi eq, %select_n3A, %eq3A_99 : i32
    %jit3A_101 = arith.constant 144840 : i32
    %select_n3A_102 = arith.select %eq3A_100, %jit3A_101, %select_n3A_94 : i32
    %eq3A_103 = arith.constant 13 : i32
    %eq3A_104 = arith.cmpi eq, %select_n3A, %eq3A_103 : i32
    %jit3A_105 = arith.constant 3 : i32
    %select_n3A_106 = arith.select %eq3A_104, %jit3A_105, %select_n3A_98 : i32
    %eq3A_107 = arith.constant 14 : i32
    %eq3A_108 = arith.cmpi eq, %select_n3A, %eq3A_107 : i32
    %jit3A_109 = arith.constant 163792 : i32
    %select_n3A_110 = arith.select %eq3A_108, %jit3A_109, %select_n3A_102 : i32
    %eq3A_111 = arith.constant 14 : i32
    %eq3A_112 = arith.cmpi eq, %select_n3A, %eq3A_111 : i32
    %jit3A_113 = arith.constant 4 : i32
    %select_n3A_114 = arith.select %eq3A_112, %jit3A_113, %select_n3A_106 : i32
    %eq3A_115 = arith.constant 15 : i32
    %eq3A_116 = arith.cmpi eq, %select_n3A, %eq3A_115 : i32
    %jit3A_117 = arith.constant 196096 : i32
    %select_n3A_118 = arith.select %eq3A_116, %jit3A_117, %select_n3A_110 : i32
    %eq3A_119 = arith.constant 15 : i32
    %eq3A_120 = arith.cmpi eq, %select_n3A, %eq3A_119 : i32
    %jit3A_121 = arith.constant 8 : i32
    %select_n3A_122 = arith.select %eq3A_120, %jit3A_121, %select_n3A_114 : i32
    %ge3A_123 = arith.constant 16 : i32
    %ge3A_124 = arith.cmpi sge, %add3A, %ge3A_123 : i32
    %jit3A_125 = arith.constant 262144 : i32
    %jit3A_126 = arith.constant 0 : i32
    %select_n3A_127 = arith.select %ge3A_124, %jit3A_125, %jit3A_126 : i32
    %add3A_128 = arith.addi %select_n3A_118, %select_n3A_127 : i32
    %dma_start3A = arith.constant 0 : i32
    %dma_start3A_129 = tpu.memref_slice %arg3[%select_n3A, %dma_start3A] : memref<16x8176xi32, #tpu.memory_space<hbm>> -> memref<1x8176xi32, #tpu.memory_space<hbm>>
    %dma_start3A_130 = tpu.memref_squeeze %dma_start3A_129 : memref<1x8176xi32, #tpu.memory_space<hbm>> -> memref<8176xi32, #tpu.memory_space<hbm>>
    %dma_start3A_131 = arith.constant 0 : i32
    %dma_start3A_132 = tpu.memref_slice %arg3[%select_n3A, %dma_start3A_131] : memref<16x8176xi32, #tpu.memory_space<hbm>> -> memref<1x8176xi32, #tpu.memory_space<hbm>>
    %dma_start3A_133 = tpu.memref_squeeze %dma_start3A_132 : memref<1x8176xi32, #tpu.memory_space<hbm>> -> memref<8176xi32, #tpu.memory_space<hbm>>
    tpu.enqueue_dma source(%dma_start3A_133 : memref<8176xi32, #tpu.memory_space<hbm>>) target(%arg6 : memref<8176xi32, #tpu.memory_space<vmem>>) target_semaphore(%arg9 : memref<!tpu.dma_semaphore, #tpu.memory_space<semaphore_mem>>)
    %while3A = arith.constant 0 : i32
    %while3A_134 = arith.constant 0 : i32
    %while3A_135 = arith.subi %select_n3A_122, %while3A_134 : i32
    %while3A_136 = arith.addi %while3A_134, %while3A_135 : i32
    %while3A_137 = arith.constant 1 : i32
    %while3A_138 = arith.divsi %while3A_135, %while3A_137 : i32
    %while3A_139 = arith.muli %while3A_138, %while3A_137 : i32
    %while3A_140 = arith.addi %while3A_134, %while3A_139 : i32
    %while3A_141 = arith.constant 1 : i32
    scf.for %while3A_165 = %while3A_134 to %while3A_140 step %while3A_141  : i32 {
      %mul3A_166 = arith.constant 8192 : i32
      %mul3A_167 = arith.muli %while3A_165, %mul3A_166 : i32
      %add3A_168 = arith.addi %add3A_128, %mul3A_167 : i32
      %multiple_of3A_169 = tpu.assume_multiple %add3A_168, 8 : i32
      %mul3A_170 = arith.constant 8192 : i32
      %mul3A_171 = arith.muli %while3A_165, %mul3A_170 : i32
      %dma_start3A_172 = tpu.memref_slice %arg5[%mul3A_171] : memref<65536xf32, #tpu.memory_space<vmem>> -> memref<8192xf32, #tpu.memory_space<vmem>>
      %dma_start3A_173 = tpu.memref_slice %arg2[%multiple_of3A_169] : memref<524288xf32, #tpu.memory_space<hbm>> -> memref<8192xf32, #tpu.memory_space<hbm>>
      %dma_start3A_174 = tpu.memref_slice %arg5[%mul3A_171] : memref<65536xf32, #tpu.memory_space<vmem>> -> memref<8192xf32, #tpu.memory_space<vmem>>
      %dma_start3A_175 = tpu.memref_slice %arg2[%multiple_of3A_169] : memref<524288xf32, #tpu.memory_space<hbm>> -> memref<8192xf32, #tpu.memory_space<hbm>>
      tpu.enqueue_dma source(%dma_start3A_175 : memref<8192xf32, #tpu.memory_space<hbm>>) target(%dma_start3A_174 : memref<8192xf32, #tpu.memory_space<vmem>>) target_semaphore(%arg8 : memref<!tpu.dma_semaphore, #tpu.memory_space<semaphore_mem>>)
    }
    %while3A_142 = arith.constant 1 : i32
    scf.for %while3A_165 = %while3A_140 to %while3A_136 step %while3A_142  : i32 {
      %mul3A_166 = arith.constant 8192 : i32
      %mul3A_167 = arith.muli %while3A_165, %mul3A_166 : i32
      %add3A_168 = arith.addi %add3A_128, %mul3A_167 : i32
      %multiple_of3A_169 = tpu.assume_multiple %add3A_168, 8 : i32
      %mul3A_170 = arith.constant 8192 : i32
      %mul3A_171 = arith.muli %while3A_165, %mul3A_170 : i32
      %dma_start3A_172 = tpu.memref_slice %arg5[%mul3A_171] : memref<65536xf32, #tpu.memory_space<vmem>> -> memref<8192xf32, #tpu.memory_space<vmem>>
      %dma_start3A_173 = tpu.memref_slice %arg2[%multiple_of3A_169] : memref<524288xf32, #tpu.memory_space<hbm>> -> memref<8192xf32, #tpu.memory_space<hbm>>
      %dma_start3A_174 = tpu.memref_slice %arg5[%mul3A_171] : memref<65536xf32, #tpu.memory_space<vmem>> -> memref<8192xf32, #tpu.memory_space<vmem>>
      %dma_start3A_175 = tpu.memref_slice %arg2[%multiple_of3A_169] : memref<524288xf32, #tpu.memory_space<hbm>> -> memref<8192xf32, #tpu.memory_space<hbm>>
      tpu.enqueue_dma source(%dma_start3A_175 : memref<8192xf32, #tpu.memory_space<hbm>>) target(%dma_start3A_174 : memref<8192xf32, #tpu.memory_space<vmem>>) target_semaphore(%arg8 : memref<!tpu.dma_semaphore, #tpu.memory_space<semaphore_mem>>)
    }
    %dma_wait3A = arith.constant 0 : i32
    %dma_wait3A_143 = tpu.memref_slice %arg3[%select_n3A, %dma_wait3A] : memref<16x8176xi32, #tpu.memory_space<hbm>> -> memref<1x8176xi32, #tpu.memory_space<hbm>>
    %dma_wait3A_144 = tpu.memref_squeeze %dma_wait3A_143 : memref<1x8176xi32, #tpu.memory_space<hbm>> -> memref<8176xi32, #tpu.memory_space<hbm>>
    %dma_wait3A_145 = arith.constant 0 : i32
    %dma_wait3A_146 = tpu.memref_slice %arg3[%select_n3A, %dma_wait3A_145] : memref<16x8176xi32, #tpu.memory_space<hbm>> -> memref<1x8176xi32, #tpu.memory_space<hbm>>
    %dma_wait3A_147 = tpu.memref_squeeze %dma_wait3A_146 : memref<1x8176xi32, #tpu.memory_space<hbm>> -> memref<8176xi32, #tpu.memory_space<hbm>>
    tpu.wait_dma2 semaphore(%arg9 : memref<!tpu.dma_semaphore, #tpu.memory_space<semaphore_mem>>) src(%dma_wait3A_147 : memref<8176xi32, #tpu.memory_space<hbm>>) dst(%arg6 : memref<8176xi32, #tpu.memory_space<vmem>>)
    %while3A_148 = arith.constant 0 : i32
    %while3A_149 = arith.constant 0 : i32
    %while3A_150 = arith.subi %select_n3A_122, %while3A_149 : i32
    %while3A_151 = arith.addi %while3A_149, %while3A_150 : i32
    %while3A_152 = arith.constant 1 : i32
    %while3A_153 = arith.divsi %while3A_150, %while3A_152 : i32
    %while3A_154 = arith.muli %while3A_153, %while3A_152 : i32
    %while3A_155 = arith.addi %while3A_149, %while3A_154 : i32
    %while3A_156 = arith.constant 1 : i32
    scf.for %while3A_165 = %while3A_149 to %while3A_155 step %while3A_156  : i32 {
      %dma_wait3A_166 = arith.constant 0 : i32
      %dma_wait3A_167 = tpu.memref_slice %arg5[%dma_wait3A_166] : memref<65536xf32, #tpu.memory_space<vmem>> -> memref<8192xf32, #tpu.memory_space<vmem>>
      %dma_wait3A_168 = arith.constant 0 : i32
      %dma_wait3A_169 = tpu.memref_slice %arg2[%dma_wait3A_168] : memref<524288xf32, #tpu.memory_space<hbm>> -> memref<8192xf32, #tpu.memory_space<hbm>>
      %dma_wait3A_170 = arith.constant 0 : i32
      %dma_wait3A_171 = tpu.memref_slice %arg5[%dma_wait3A_170] : memref<65536xf32, #tpu.memory_space<vmem>> -> memref<8192xf32, #tpu.memory_space<vmem>>
      %dma_wait3A_172 = arith.constant 0 : i32
      %dma_wait3A_173 = tpu.memref_slice %arg2[%dma_wait3A_172] : memref<524288xf32, #tpu.memory_space<hbm>> -> memref<8192xf32, #tpu.memory_space<hbm>>
      tpu.wait_dma2 semaphore(%arg8 : memref<!tpu.dma_semaphore, #tpu.memory_space<semaphore_mem>>) src(%dma_wait3A_173 : memref<8192xf32, #tpu.memory_space<hbm>>) dst(%dma_wait3A_171 : memref<8192xf32, #tpu.memory_space<vmem>>)
    }
    %while3A_157 = arith.constant 1 : i32
    scf.for %while3A_165 = %while3A_155 to %while3A_151 step %while3A_157  : i32 {
      %dma_wait3A_166 = arith.constant 0 : i32
      %dma_wait3A_167 = tpu.memref_slice %arg5[%dma_wait3A_166] : memref<65536xf32, #tpu.memory_space<vmem>> -> memref<8192xf32, #tpu.memory_space<vmem>>
      %dma_wait3A_168 = arith.constant 0 : i32
      %dma_wait3A_169 = tpu.memref_slice %arg2[%dma_wait3A_168] : memref<524288xf32, #tpu.memory_space<hbm>> -> memref<8192xf32, #tpu.memory_space<hbm>>
      %dma_wait3A_170 = arith.constant 0 : i32
      %dma_wait3A_171 = tpu.memref_slice %arg5[%dma_wait3A_170] : memref<65536xf32, #tpu.memory_space<vmem>> -> memref<8192xf32, #tpu.memory_space<vmem>>
      %dma_wait3A_172 = arith.constant 0 : i32
      %dma_wait3A_173 = tpu.memref_slice %arg2[%dma_wait3A_172] : memref<524288xf32, #tpu.memory_space<hbm>> -> memref<8192xf32, #tpu.memory_space<hbm>>
      tpu.wait_dma2 semaphore(%arg8 : memref<!tpu.dma_semaphore, #tpu.memory_space<semaphore_mem>>) src(%dma_wait3A_173 : memref<8192xf32, #tpu.memory_space<hbm>>) dst(%dma_wait3A_171 : memref<8192xf32, #tpu.memory_space<vmem>>)
    }
    %scan3A = arith.constant 0 : i32
    %scan3A_158 = arith.constant 0 : i32
    %scan3A_159 = arith.constant 73 : i32
    %scan3A_160 = arith.addi %scan3A_158, %scan3A_159 : i32
    %scan3A_161 = arith.constant 1 : i32
    scf.for %scan3A_165 = %scan3A_158 to %scan3A_160 step %scan3A_161  : i32 {
      %mul3A_166 = arith.constant 7 : i32
      %mul3A_167 = arith.muli %scan3A_165, %mul3A_166 : i32
      %add3A_168 = arith.constant 0 : i32
      %add3A_169 = arith.addi %mul3A_167, %add3A_168 : i32
      %mul3A_170 = arith.constant 16 : i32
      %mul3A_171 = arith.muli %add3A_169, %mul3A_170 : i32
      %get3A = arith.index_cast %mul3A_171 : i32 to index
      %get3A_172 = tpu.vector_load %arg6[%get3A] {strides = array<i32>} : memref<8176xi32, #tpu.memory_space<vmem>>, vector<16xi32>,
      %gather3A = tpu.vector_load_idx %arg5[%get3A_172] : memref<65536xf32, #tpu.memory_space<vmem>>[vector<16xi32>], vector<16xf32>,
      %mul3A_173 = arith.constant 7 : i32
      %mul3A_174 = arith.muli %scan3A_165, %mul3A_173 : i32
      %add3A_175 = arith.constant 0 : i32
      %add3A_176 = arith.addi %mul3A_174, %add3A_175 : i32
      %mul3A_177 = arith.constant 16 : i32
      %mul3A_178 = arith.muli %add3A_176, %mul3A_177 : i32
      %swap3A = arith.index_cast %mul3A_178 : i32 to index
      %swap3A_179 = tpu.vector_load %arg7[%swap3A] {strides = array<i32>} : memref<8176xf32, #tpu.memory_space<vmem>>, vector<16xf32>,
      tpu.vector_store %arg7[%swap3A], %gather3A {strides = array<i32>} : memref<8176xf32, #tpu.memory_space<vmem>>, vector<16xf32>,
      %mul3A_180 = arith.constant 7 : i32
      %mul3A_181 = arith.muli %scan3A_165, %mul3A_180 : i32
      %add3A_182 = arith.constant 1 : i32
      %add3A_183 = arith.addi %mul3A_181, %add3A_182 : i32
      %mul3A_184 = arith.constant 16 : i32
      %mul3A_185 = arith.muli %add3A_183, %mul3A_184 : i32
      %get3A_186 = arith.index_cast %mul3A_185 : i32 to index
      %get3A_187 = tpu.vector_load %arg6[%get3A_186] {strides = array<i32>} : memref<8176xi32, #tpu.memory_space<vmem>>, vector<16xi32>,
      %gather3A_188 = tpu.vector_load_idx %arg5[%get3A_187] : memref<65536xf32, #tpu.memory_space<vmem>>[vector<16xi32>], vector<16xf32>,
      %mul3A_189 = arith.constant 7 : i32
      %mul3A_190 = arith.muli %scan3A_165, %mul3A_189 : i32
      %add3A_191 = arith.constant 1 : i32
      %add3A_192 = arith.addi %mul3A_190, %add3A_191 : i32
      %mul3A_193 = arith.constant 16 : i32
      %mul3A_194 = arith.muli %add3A_192, %mul3A_193 : i32
      %swap3A_195 = arith.index_cast %mul3A_194 : i32 to index
      %swap3A_196 = tpu.vector_load %arg7[%swap3A_195] {strides = array<i32>} : memref<8176xf32, #tpu.memory_space<vmem>>, vector<16xf32>,
      tpu.vector_store %arg7[%swap3A_195], %gather3A_188 {strides = array<i32>} : memref<8176xf32, #tpu.memory_space<vmem>>, vector<16xf32>,
      %mul3A_197 = arith.constant 7 : i32
      %mul3A_198 = arith.muli %scan3A_165, %mul3A_197 : i32
      %add3A_199 = arith.constant 2 : i32
      %add3A_200 = arith.addi %mul3A_198, %add3A_199 : i32
      %mul3A_201 = arith.constant 16 : i32
      %mul3A_202 = arith.muli %add3A_200, %mul3A_201 : i32
      %get3A_203 = arith.index_cast %mul3A_202 : i32 to index
      %get3A_204 = tpu.vector_load %arg6[%get3A_203] {strides = array<i32>} : memref<8176xi32, #tpu.memory_space<vmem>>, vector<16xi32>,
      %gather3A_205 = tpu.vector_load_idx %arg5[%get3A_204] : memref<65536xf32, #tpu.memory_space<vmem>>[vector<16xi32>], vector<16xf32>,
      %mul3A_206 = arith.constant 7 : i32
      %mul3A_207 = arith.muli %scan3A_165, %mul3A_206 : i32
      %add3A_208 = arith.constant 2 : i32
      %add3A_209 = arith.addi %mul3A_207, %add3A_208 : i32
      %mul3A_210 = arith.constant 16 : i32
      %mul3A_211 = arith.muli %add3A_209, %mul3A_210 : i32
      %swap3A_212 = arith.index_cast %mul3A_211 : i32 to index
      %swap3A_213 = tpu.vector_load %arg7[%swap3A_212] {strides = array<i32>} : memref<8176xf32, #tpu.memory_space<vmem>>, vector<16xf32>,
      tpu.vector_store %arg7[%swap3A_212], %gather3A_205 {strides = array<i32>} : memref<8176xf32, #tpu.memory_space<vmem>>, vector<16xf32>,
      %mul3A_214 = arith.constant 7 : i32
      %mul3A_215 = arith.muli %scan3A_165, %mul3A_214 : i32
      %add3A_216 = arith.constant 3 : i32
      %add3A_217 = arith.addi %mul3A_215, %add3A_216 : i32
      %mul3A_218 = arith.constant 16 : i32
      %mul3A_219 = arith.muli %add3A_217, %mul3A_218 : i32
      %get3A_220 = arith.index_cast %mul3A_219 : i32 to index
      %get3A_221 = tpu.vector_load %arg6[%get3A_220] {strides = array<i32>} : memref<8176xi32, #tpu.memory_space<vmem>>, vector<16xi32>,
      %gather3A_222 = tpu.vector_load_idx %arg5[%get3A_221] : memref<65536xf32, #tpu.memory_space<vmem>>[vector<16xi32>], vector<16xf32>,
      %mul3A_223 = arith.constant 7 : i32
      %mul3A_224 = arith.muli %scan3A_165, %mul3A_223 : i32
      %add3A_225 = arith.constant 3 : i32
      %add3A_226 = arith.addi %mul3A_224, %add3A_225 : i32
      %mul3A_227 = arith.constant 16 : i32
      %mul3A_228 = arith.muli %add3A_226, %mul3A_227 : i32
      %swap3A_229 = arith.index_cast %mul3A_228 : i32 to index
      %swap3A_230 = tpu.vector_load %arg7[%swap3A_229] {strides = array<i32>} : memref<8176xf32, #tpu.memory_space<vmem>>, vector<16xf32>,
      tpu.vector_store %arg7[%swap3A_229], %gather3A_222 {strides = array<i32>} : memref<8176xf32, #tpu.memory_space<vmem>>, vector<16xf32>,
      %mul3A_231 = arith.constant 7 : i32
      %mul3A_232 = arith.muli %scan3A_165, %mul3A_231 : i32
      %add3A_233 = arith.constant 4 : i32
      %add3A_234 = arith.addi %mul3A_232, %add3A_233 : i32
      %mul3A_235 = arith.constant 16 : i32
      %mul3A_236 = arith.muli %add3A_234, %mul3A_235 : i32
      %get3A_237 = arith.index_cast %mul3A_236 : i32 to index
      %get3A_238 = tpu.vector_load %arg6[%get3A_237] {strides = array<i32>} : memref<8176xi32, #tpu.memory_space<vmem>>, vector<16xi32>,
      %gather3A_239 = tpu.vector_load_idx %arg5[%get3A_238] : memref<65536xf32, #tpu.memory_space<vmem>>[vector<16xi32>], vector<16xf32>,
      %mul3A_240 = arith.constant 7 : i32
      %mul3A_241 = arith.muli %scan3A_165, %mul3A_240 : i32
      %add3A_242 = arith.constant 4 : i32
      %add3A_243 = arith.addi %mul3A_241, %add3A_242 : i32
      %mul3A_244 = arith.constant 16 : i32
      %mul3A_245 = arith.muli %add3A_243, %mul3A_244 : i32
      %swap3A_246 = arith.index_cast %mul3A_245 : i32 to index
      %swap3A_247 = tpu.vector_load %arg7[%swap3A_246] {strides = array<i32>} : memref<8176xf32, #tpu.memory_space<vmem>>, vector<16xf32>,
      tpu.vector_store %arg7[%swap3A_246], %gather3A_239 {strides = array<i32>} : memref<8176xf32, #tpu.memory_space<vmem>>, vector<16xf32>,
      %mul3A_248 = arith.constant 7 : i32
      %mul3A_249 = arith.muli %scan3A_165, %mul3A_248 : i32
      %add3A_250 = arith.constant 5 : i32
      %add3A_251 = arith.addi %mul3A_249, %add3A_250 : i32
      %mul3A_252 = arith.constant 16 : i32
      %mul3A_253 = arith.muli %add3A_251, %mul3A_252 : i32
      %get3A_254 = arith.index_cast %mul3A_253 : i32 to index
      %get3A_255 = tpu.vector_load %arg6[%get3A_254] {strides = array<i32>} : memref<8176xi32, #tpu.memory_space<vmem>>, vector<16xi32>,
      %gather3A_256 = tpu.vector_load_idx %arg5[%get3A_255] : memref<65536xf32, #tpu.memory_space<vmem>>[vector<16xi32>], vector<16xf32>,
      %mul3A_257 = arith.constant 7 : i32
      %mul3A_258 = arith.muli %scan3A_165, %mul3A_257 : i32
      %add3A_259 = arith.constant 5 : i32
      %add3A_260 = arith.addi %mul3A_258, %add3A_259 : i32
      %mul3A_261 = arith.constant 16 : i32
      %mul3A_262 = arith.muli %add3A_260, %mul3A_261 : i32
      %swap3A_263 = arith.index_cast %mul3A_262 : i32 to index
      %swap3A_264 = tpu.vector_load %arg7[%swap3A_263] {strides = array<i32>} : memref<8176xf32, #tpu.memory_space<vmem>>, vector<16xf32>,
      tpu.vector_store %arg7[%swap3A_263], %gather3A_256 {strides = array<i32>} : memref<8176xf32, #tpu.memory_space<vmem>>, vector<16xf32>,
      %mul3A_265 = arith.constant 7 : i32
      %mul3A_266 = arith.muli %scan3A_165, %mul3A_265 : i32
      %add3A_267 = arith.constant 6 : i32
      %add3A_268 = arith.addi %mul3A_266, %add3A_267 : i32
      %mul3A_269 = arith.constant 16 : i32
      %mul3A_270 = arith.muli %add3A_268, %mul3A_269 : i32
      %get3A_271 = arith.index_cast %mul3A_270 : i32 to index
      %get3A_272 = tpu.vector_load %arg6[%get3A_271] {strides = array<i32>} : memref<8176xi32, #tpu.memory_space<vmem>>, vector<16xi32>,
      %gather3A_273 = tpu.vector_load_idx %arg5[%get3A_272] : memref<65536xf32, #tpu.memory_space<vmem>>[vector<16xi32>], vector<16xf32>,
      %mul3A_274 = arith.constant 7 : i32
      %mul3A_275 = arith.muli %scan3A_165, %mul3A_274 : i32
      %add3A_276 = arith.constant 6 : i32
      %add3A_277 = arith.addi %mul3A_275, %add3A_276 : i32
      %mul3A_278 = arith.constant 16 : i32
      %mul3A_279 = arith.muli %add3A_277, %mul3A_278 : i32
      %swap3A_280 = arith.index_cast %mul3A_279 : i32 to index
      %swap3A_281 = tpu.vector_load %arg7[%swap3A_280] {strides = array<i32>} : memref<8176xf32, #tpu.memory_space<vmem>>, vector<16xf32>,
      tpu.vector_store %arg7[%swap3A_280], %gather3A_273 {strides = array<i32>} : memref<8176xf32, #tpu.memory_space<vmem>>, vector<16xf32>,
    }
    %scan3A_162 = arith.constant 73 : i32
    %mul3A_163 = arith.constant 8176 : i32
    %mul3A_164 = arith.muli %add3A, %mul3A_163 : i32
    %multiple_of3A = tpu.assume_multiple %mul3A_164, 8 : i32
    "tpu.region"() ({
      %run_scoped3A = tpu.sem_alloc : memref<!tpu.dma_semaphore, #tpu.memory_space<semaphore_mem>>
      %dma_start3A_165 = tpu.memref_slice %arg4[%multiple_of3A] : memref<261632xf32, #tpu.memory_space<hbm>> -> memref<8176xf32, #tpu.memory_space<hbm>>
      %dma_start3A_166 = tpu.memref_slice %arg4[%multiple_of3A] : memref<261632xf32, #tpu.memory_space<hbm>> -> memref<8176xf32, #tpu.memory_space<hbm>>
      tpu.enqueue_dma source(%arg7 : memref<8176xf32, #tpu.memory_space<vmem>>) target(%dma_start3A_166 : memref<8176xf32, #tpu.memory_space<hbm>>) target_semaphore(%run_scoped3A : memref<!tpu.dma_semaphore, #tpu.memory_space<semaphore_mem>>)
      %dma_wait3A_167 = tpu.memref_slice %arg4[%multiple_of3A] : memref<261632xf32, #tpu.memory_space<hbm>> -> memref<8176xf32, #tpu.memory_space<hbm>>
      %dma_wait3A_168 = tpu.memref_slice %arg4[%multiple_of3A] : memref<261632xf32, #tpu.memory_space<hbm>> -> memref<8176xf32, #tpu.memory_space<hbm>>
      tpu.wait_dma2 semaphore(%run_scoped3A : memref<!tpu.dma_semaphore, #tpu.memory_space<semaphore_mem>>) src(%arg7 : memref<8176xf32, #tpu.memory_space<vmem>>) dst(%dma_wait3A_168 : memref<8176xf32, #tpu.memory_space<hbm>>)
      tpu.yield
    }) : () -> ()
    return
  }
}

module attributes {stable_mosaic.version = 14 : i64} {
  func.func @_dense_body(%arg0: memref<512x64xf32, #tpu.memory_space<vmem>>, %arg1: memref<64x8xf32, #tpu.memory_space<vmem>>, %arg2: memref<64x8xf32, #tpu.memory_space<vmem>>, %arg3: memref<1x8xf32, #tpu.memory_space<vmem>>, %arg4: memref<8x4xf32, #tpu.memory_space<smem>>, %arg5: memref<4xf32, #tpu.memory_space<smem>>, %arg6: memref<64x2xf32, #tpu.memory_space<vmem>>, %arg7: memref<1x2xf32, #tpu.memory_space<vmem>>, %arg8: memref<4x2xf32, #tpu.memory_space<smem>>, %arg9: memref<2xf32, #tpu.memory_space<smem>>, %arg10: memref<1xf32, #tpu.memory_space<smem>>, %arg11: memref<64x64xf32, #tpu.memory_space<vmem>>, %arg12: memref<1x64xf32, #tpu.memory_space<vmem>>, %arg13: memref<64x2xf32, #tpu.memory_space<vmem>>, %arg14: memref<1x2xf32, #tpu.memory_space<vmem>>, %arg15: memref<4x2xf32, #tpu.memory_space<smem>>, %arg16: memref<2xf32, #tpu.memory_space<smem>>, %arg17: memref<1xf32, #tpu.memory_space<smem>>, %arg18: memref<64x64xf32, #tpu.memory_space<vmem>>, %arg19: memref<1x64xf32, #tpu.memory_space<vmem>>, %arg20: memref<512x64xf32, #tpu.memory_space<vmem>>, %arg21: memref<2x512x512xf32, #tpu.memory_space<vmem>>) attributes {dimension_semantics = [], scalar_prefetch = 0 : i64, scratch_operands = 0 : i64, tpu.core_type = #tpu.core_type<tc>} {
    %get3A = arith.constant 0 : index
    %get3A_0 = arith.constant 0 : index
    %get3A_1 = vector.load %arg0[%get3A, %get3A_0] : memref<512x64xf32, #tpu.memory_space<vmem>>, vector<512x64xf32>
    %get3A_2 = arith.constant 0 : index
    %get3A_3 = arith.constant 0 : index
    %get3A_4 = vector.load %arg1[%get3A_2, %get3A_3] : memref<64x8xf32, #tpu.memory_space<vmem>>, vector<64x8xf32>
    %dot_general3A = arith.constant dense<0.000000e+00> : vector<512x8xf32>
    %dot_general3A_5 = tpu.matmul %get3A_1, %get3A_4, %dot_general3A {dimension_numbers = #tpu.dot_dimension_numbers<[1], [0], [0], [1], [0, 0, 1, 1], [], []>, transpose_lhs_hint = false} : vector<512x64xf32>, vector<64x8xf32>, vector<512x8xf32> -> vector<512x8xf32>
    %get3A_6 = arith.constant 0 : index
    %get3A_7 = arith.constant 0 : index
    %get3A_8 = vector.load %arg3[%get3A_6, %get3A_7] : memref<1x8xf32, #tpu.memory_space<vmem>>, vector<1x8xf32>
    %add3A = vector.broadcast %get3A_8 : vector<1x8xf32> to vector<512x8xf32>
    %add3A_9 = arith.addf %dot_general3A_5, %add3A : vector<512x8xf32>
    %get3A_10 = arith.constant 0 : index
    %get3A_11 = arith.constant 0 : index
    %get3A_12 = vector.load %arg2[%get3A_10, %get3A_11] : memref<64x8xf32, #tpu.memory_space<vmem>>, vector<64x8xf32>
    %dot_general3A_13 = arith.constant dense<0.000000e+00> : vector<8x512xf32>
    %dot_general3A_14 = tpu.matmul %get3A_12, %get3A_1, %dot_general3A_13 {dimension_numbers = #tpu.dot_dimension_numbers<[0], [1], [1], [0], [0, 1, 1, 0], [], []>, transpose_lhs_hint = false} : vector<64x8xf32>, vector<512x64xf32>, vector<8x512xf32> -> vector<8x512xf32>
    %slice3A = vector.extract_strided_slice %add3A_9 {offsets = [0, 0], sizes = [512, 1], strides = [1, 1]} : vector<512x8xf32> to vector<512x1xf32>
    %slice3A_15 = vector.extract_strided_slice %dot_general3A_14 {offsets = [0, 0], sizes = [1, 512], strides = [1, 1]} : vector<8x512xf32> to vector<1x512xf32>
    %add3A_16 = vector.broadcast %slice3A : vector<512x1xf32> to vector<512x512xf32>
    %add3A_17 = vector.broadcast %slice3A_15 : vector<1x512xf32> to vector<512x512xf32>
    %add3A_18 = arith.addf %add3A_16, %add3A_17 : vector<512x512xf32>
    %max3A = arith.constant 0.000000e+00 : f32
    %max3A_19 = vector.broadcast %max3A : f32 to vector<512x512xf32>
    %max3A_20 = arith.maximumf %add3A_18, %max3A_19 : vector<512x512xf32>
    %slice3A_21 = vector.extract_strided_slice %add3A_9 {offsets = [0, 1], sizes = [512, 1], strides = [1, 1]} : vector<512x8xf32> to vector<512x1xf32>
    %slice3A_22 = vector.extract_strided_slice %dot_general3A_14 {offsets = [1, 0], sizes = [1, 512], strides = [1, 1]} : vector<8x512xf32> to vector<1x512xf32>
    %add3A_23 = vector.broadcast %slice3A_21 : vector<512x1xf32> to vector<512x512xf32>
    %add3A_24 = vector.broadcast %slice3A_22 : vector<1x512xf32> to vector<512x512xf32>
    %add3A_25 = arith.addf %add3A_23, %add3A_24 : vector<512x512xf32>
    %max3A_26 = arith.constant 0.000000e+00 : f32
    %max3A_27 = vector.broadcast %max3A_26 : f32 to vector<512x512xf32>
    %max3A_28 = arith.maximumf %add3A_25, %max3A_27 : vector<512x512xf32>
    %slice3A_29 = vector.extract_strided_slice %add3A_9 {offsets = [0, 2], sizes = [512, 1], strides = [1, 1]} : vector<512x8xf32> to vector<512x1xf32>
    %slice3A_30 = vector.extract_strided_slice %dot_general3A_14 {offsets = [2, 0], sizes = [1, 512], strides = [1, 1]} : vector<8x512xf32> to vector<1x512xf32>
    %add3A_31 = vector.broadcast %slice3A_29 : vector<512x1xf32> to vector<512x512xf32>
    %add3A_32 = vector.broadcast %slice3A_30 : vector<1x512xf32> to vector<512x512xf32>
    %add3A_33 = arith.addf %add3A_31, %add3A_32 : vector<512x512xf32>
    %max3A_34 = arith.constant 0.000000e+00 : f32
    %max3A_35 = vector.broadcast %max3A_34 : f32 to vector<512x512xf32>
    %max3A_36 = arith.maximumf %add3A_33, %max3A_35 : vector<512x512xf32>
    %slice3A_37 = vector.extract_strided_slice %add3A_9 {offsets = [0, 3], sizes = [512, 1], strides = [1, 1]} : vector<512x8xf32> to vector<512x1xf32>
    %slice3A_38 = vector.extract_strided_slice %dot_general3A_14 {offsets = [3, 0], sizes = [1, 512], strides = [1, 1]} : vector<8x512xf32> to vector<1x512xf32>
    %add3A_39 = vector.broadcast %slice3A_37 : vector<512x1xf32> to vector<512x512xf32>
    %add3A_40 = vector.broadcast %slice3A_38 : vector<1x512xf32> to vector<512x512xf32>
    %add3A_41 = arith.addf %add3A_39, %add3A_40 : vector<512x512xf32>
    %max3A_42 = arith.constant 0.000000e+00 : f32
    %max3A_43 = vector.broadcast %max3A_42 : f32 to vector<512x512xf32>
    %max3A_44 = arith.maximumf %add3A_41, %max3A_43 : vector<512x512xf32>
    %slice3A_45 = vector.extract_strided_slice %add3A_9 {offsets = [0, 4], sizes = [512, 1], strides = [1, 1]} : vector<512x8xf32> to vector<512x1xf32>
    %slice3A_46 = vector.extract_strided_slice %dot_general3A_14 {offsets = [4, 0], sizes = [1, 512], strides = [1, 1]} : vector<8x512xf32> to vector<1x512xf32>
    %add3A_47 = vector.broadcast %slice3A_45 : vector<512x1xf32> to vector<512x512xf32>
    %add3A_48 = vector.broadcast %slice3A_46 : vector<1x512xf32> to vector<512x512xf32>
    %add3A_49 = arith.addf %add3A_47, %add3A_48 : vector<512x512xf32>
    %max3A_50 = arith.constant 0.000000e+00 : f32
    %max3A_51 = vector.broadcast %max3A_50 : f32 to vector<512x512xf32>
    %max3A_52 = arith.maximumf %add3A_49, %max3A_51 : vector<512x512xf32>
    %slice3A_53 = vector.extract_strided_slice %add3A_9 {offsets = [0, 5], sizes = [512, 1], strides = [1, 1]} : vector<512x8xf32> to vector<512x1xf32>
    %slice3A_54 = vector.extract_strided_slice %dot_general3A_14 {offsets = [5, 0], sizes = [1, 512], strides = [1, 1]} : vector<8x512xf32> to vector<1x512xf32>
    %add3A_55 = vector.broadcast %slice3A_53 : vector<512x1xf32> to vector<512x512xf32>
    %add3A_56 = vector.broadcast %slice3A_54 : vector<1x512xf32> to vector<512x512xf32>
    %add3A_57 = arith.addf %add3A_55, %add3A_56 : vector<512x512xf32>
    %max3A_58 = arith.constant 0.000000e+00 : f32
    %max3A_59 = vector.broadcast %max3A_58 : f32 to vector<512x512xf32>
    %max3A_60 = arith.maximumf %add3A_57, %max3A_59 : vector<512x512xf32>
    %slice3A_61 = vector.extract_strided_slice %add3A_9 {offsets = [0, 6], sizes = [512, 1], strides = [1, 1]} : vector<512x8xf32> to vector<512x1xf32>
    %slice3A_62 = vector.extract_strided_slice %dot_general3A_14 {offsets = [6, 0], sizes = [1, 512], strides = [1, 1]} : vector<8x512xf32> to vector<1x512xf32>
    %add3A_63 = vector.broadcast %slice3A_61 : vector<512x1xf32> to vector<512x512xf32>
    %add3A_64 = vector.broadcast %slice3A_62 : vector<1x512xf32> to vector<512x512xf32>
    %add3A_65 = arith.addf %add3A_63, %add3A_64 : vector<512x512xf32>
    %max3A_66 = arith.constant 0.000000e+00 : f32
    %max3A_67 = vector.broadcast %max3A_66 : f32 to vector<512x512xf32>
    %max3A_68 = arith.maximumf %add3A_65, %max3A_67 : vector<512x512xf32>
    %slice3A_69 = vector.extract_strided_slice %add3A_9 {offsets = [0, 7], sizes = [512, 1], strides = [1, 1]} : vector<512x8xf32> to vector<512x1xf32>
    %slice3A_70 = vector.extract_strided_slice %dot_general3A_14 {offsets = [7, 0], sizes = [1, 512], strides = [1, 1]} : vector<8x512xf32> to vector<1x512xf32>
    %add3A_71 = vector.broadcast %slice3A_69 : vector<512x1xf32> to vector<512x512xf32>
    %add3A_72 = vector.broadcast %slice3A_70 : vector<1x512xf32> to vector<512x512xf32>
    %add3A_73 = arith.addf %add3A_71, %add3A_72 : vector<512x512xf32>
    %max3A_74 = arith.constant 0.000000e+00 : f32
    %max3A_75 = vector.broadcast %max3A_74 : f32 to vector<512x512xf32>
    %max3A_76 = arith.maximumf %add3A_73, %max3A_75 : vector<512x512xf32>
    %iota3A = tpu.iota {dimensions = array<i32: 0>} : vector<512x512xi32>
    %iota3A_77 = tpu.iota {dimensions = array<i32: 1>} : vector<512x512xi32>
    %ne3A = arith.cmpi ne, %iota3A, %iota3A_77 : vector<512x512xi32>
    %get3A_78 = arith.constant 0 : index
    %get3A_79 = arith.constant 0 : index
    %get3A_80 = vector.load %arg6[%get3A_78, %get3A_79] : memref<64x2xf32, #tpu.memory_space<vmem>>, vector<64x2xf32>
    %dot_general3A_81 = arith.constant dense<0.000000e+00> : vector<512x2xf32>
    %dot_general3A_82 = tpu.matmul %get3A_1, %get3A_80, %dot_general3A_81 {dimension_numbers = #tpu.dot_dimension_numbers<[1], [0], [0], [1], [0, 0, 1, 1], [], []>, transpose_lhs_hint = false} : vector<512x64xf32>, vector<64x2xf32>, vector<512x2xf32> -> vector<512x2xf32>
    %get3A_83 = arith.constant 0 : index
    %get3A_84 = arith.constant 0 : index
    %get3A_85 = vector.load %arg7[%get3A_83, %get3A_84] : memref<1x2xf32, #tpu.memory_space<vmem>>, vector<1x2xf32>
    %add3A_86 = vector.broadcast %get3A_85 : vector<1x2xf32> to vector<512x2xf32>
    %add3A_87 = arith.addf %dot_general3A_82, %add3A_86 : vector<512x2xf32>
    %get3A_88 = arith.constant 0 : index
    %get3A_89 = memref.load %arg5[%get3A_88] : memref<4xf32, #tpu.memory_space<smem>>
    %get3A_90 = arith.constant 0 : index
    %get3A_91 = arith.constant 0 : index
    %get3A_92 = memref.load %arg8[%get3A_90, %get3A_91] : memref<4x2xf32, #tpu.memory_space<smem>>
    %mul3A = arith.mulf %get3A_89, %get3A_92 : f32
    %get3A_93 = arith.constant 1 : index
    %get3A_94 = memref.load %arg5[%get3A_93] : memref<4xf32, #tpu.memory_space<smem>>
    %get3A_95 = arith.constant 1 : index
    %get3A_96 = arith.constant 0 : index
    %get3A_97 = memref.load %arg8[%get3A_95, %get3A_96] : memref<4x2xf32, #tpu.memory_space<smem>>
    %mul3A_98 = arith.mulf %get3A_94, %get3A_97 : f32
    %add3A_99 = arith.addf %mul3A, %mul3A_98 : f32
    %get3A_100 = arith.constant 2 : index
    %get3A_101 = memref.load %arg5[%get3A_100] : memref<4xf32, #tpu.memory_space<smem>>
    %get3A_102 = arith.constant 2 : index
    %get3A_103 = arith.constant 0 : index
    %get3A_104 = memref.load %arg8[%get3A_102, %get3A_103] : memref<4x2xf32, #tpu.memory_space<smem>>
    %mul3A_105 = arith.mulf %get3A_101, %get3A_104 : f32
    %add3A_106 = arith.addf %add3A_99, %mul3A_105 : f32
    %get3A_107 = arith.constant 3 : index
    %get3A_108 = memref.load %arg5[%get3A_107] : memref<4xf32, #tpu.memory_space<smem>>
    %get3A_109 = arith.constant 3 : index
    %get3A_110 = arith.constant 0 : index
    %get3A_111 = memref.load %arg8[%get3A_109, %get3A_110] : memref<4x2xf32, #tpu.memory_space<smem>>
    %mul3A_112 = arith.mulf %get3A_108, %get3A_111 : f32
    %add3A_113 = arith.addf %add3A_106, %mul3A_112 : f32
    %slice3A_114 = vector.extract_strided_slice %add3A_87 {offsets = [0, 0], sizes = [512, 1], strides = [1, 1]} : vector<512x2xf32> to vector<512x1xf32>
    %add3A_115 = vector.broadcast %add3A_113 : f32 to vector<512x1xf32>
    %add3A_116 = arith.addf %slice3A_114, %add3A_115 : vector<512x1xf32>
    %get3A_117 = arith.constant 0 : index
    %get3A_118 = arith.constant 0 : index
    %get3A_119 = memref.load %arg4[%get3A_117, %get3A_118] : memref<8x4xf32, #tpu.memory_space<smem>>
    %get3A_120 = arith.constant 0 : index
    %get3A_121 = arith.constant 0 : index
    %get3A_122 = memref.load %arg8[%get3A_120, %get3A_121] : memref<4x2xf32, #tpu.memory_space<smem>>
    %mul3A_123 = arith.mulf %get3A_119, %get3A_122 : f32
    %get3A_124 = arith.constant 0 : index
    %get3A_125 = arith.constant 1 : index
    %get3A_126 = memref.load %arg4[%get3A_124, %get3A_125] : memref<8x4xf32, #tpu.memory_space<smem>>
    %get3A_127 = arith.constant 1 : index
    %get3A_128 = arith.constant 0 : index
    %get3A_129 = memref.load %arg8[%get3A_127, %get3A_128] : memref<4x2xf32, #tpu.memory_space<smem>>
    %mul3A_130 = arith.mulf %get3A_126, %get3A_129 : f32
    %add3A_131 = arith.addf %mul3A_123, %mul3A_130 : f32
    %get3A_132 = arith.constant 0 : index
    %get3A_133 = arith.constant 2 : index
    %get3A_134 = memref.load %arg4[%get3A_132, %get3A_133] : memref<8x4xf32, #tpu.memory_space<smem>>
    %get3A_135 = arith.constant 2 : index
    %get3A_136 = arith.constant 0 : index
    %get3A_137 = memref.load %arg8[%get3A_135, %get3A_136] : memref<4x2xf32, #tpu.memory_space<smem>>
    %mul3A_138 = arith.mulf %get3A_134, %get3A_137 : f32
    %add3A_139 = arith.addf %add3A_131, %mul3A_138 : f32
    %get3A_140 = arith.constant 0 : index
    %get3A_141 = arith.constant 3 : index
    %get3A_142 = memref.load %arg4[%get3A_140, %get3A_141] : memref<8x4xf32, #tpu.memory_space<smem>>
    %get3A_143 = arith.constant 3 : index
    %get3A_144 = arith.constant 0 : index
    %get3A_145 = memref.load %arg8[%get3A_143, %get3A_144] : memref<4x2xf32, #tpu.memory_space<smem>>
    %mul3A_146 = arith.mulf %get3A_142, %get3A_145 : f32
    %add3A_147 = arith.addf %add3A_139, %mul3A_146 : f32
    %mul3A_148 = vector.broadcast %add3A_147 : f32 to vector<512x512xf32>
    %mul3A_149 = arith.mulf %max3A_20, %mul3A_148 : vector<512x512xf32>
    %add3A_150 = vector.broadcast %add3A_116 : vector<512x1xf32> to vector<512x512xf32>
    %add3A_151 = arith.addf %add3A_150, %mul3A_149 : vector<512x512xf32>
    %get3A_152 = arith.constant 1 : index
    %get3A_153 = arith.constant 0 : index
    %get3A_154 = memref.load %arg4[%get3A_152, %get3A_153] : memref<8x4xf32, #tpu.memory_space<smem>>
    %get3A_155 = arith.constant 0 : index
    %get3A_156 = arith.constant 0 : index
    %get3A_157 = memref.load %arg8[%get3A_155, %get3A_156] : memref<4x2xf32, #tpu.memory_space<smem>>
    %mul3A_158 = arith.mulf %get3A_154, %get3A_157 : f32
    %get3A_159 = arith.constant 1 : index
    %get3A_160 = arith.constant 1 : index
    %get3A_161 = memref.load %arg4[%get3A_159, %get3A_160] : memref<8x4xf32, #tpu.memory_space<smem>>
    %get3A_162 = arith.constant 1 : index
    %get3A_163 = arith.constant 0 : index
    %get3A_164 = memref.load %arg8[%get3A_162, %get3A_163] : memref<4x2xf32, #tpu.memory_space<smem>>
    %mul3A_165 = arith.mulf %get3A_161, %get3A_164 : f32
    %add3A_166 = arith.addf %mul3A_158, %mul3A_165 : f32
    %get3A_167 = arith.constant 1 : index
    %get3A_168 = arith.constant 2 : index
    %get3A_169 = memref.load %arg4[%get3A_167, %get3A_168] : memref<8x4xf32, #tpu.memory_space<smem>>
    %get3A_170 = arith.constant 2 : index
    %get3A_171 = arith.constant 0 : index
    %get3A_172 = memref.load %arg8[%get3A_170, %get3A_171] : memref<4x2xf32, #tpu.memory_space<smem>>
    %mul3A_173 = arith.mulf %get3A_169, %get3A_172 : f32
    %add3A_174 = arith.addf %add3A_166, %mul3A_173 : f32
    %get3A_175 = arith.constant 1 : index
    %get3A_176 = arith.constant 3 : index
    %get3A_177 = memref.load %arg4[%get3A_175, %get3A_176] : memref<8x4xf32, #tpu.memory_space<smem>>
    %get3A_178 = arith.constant 3 : index
    %get3A_179 = arith.constant 0 : index
    %get3A_180 = memref.load %arg8[%get3A_178, %get3A_179] : memref<4x2xf32, #tpu.memory_space<smem>>
    %mul3A_181 = arith.mulf %get3A_177, %get3A_180 : f32
    %add3A_182 = arith.addf %add3A_174, %mul3A_181 : f32
    %mul3A_183 = vector.broadcast %add3A_182 : f32 to vector<512x512xf32>
    %mul3A_184 = arith.mulf %max3A_28, %mul3A_183 : vector<512x512xf32>
    %add3A_185 = arith.addf %add3A_151, %mul3A_184 : vector<512x512xf32>
    %get3A_186 = arith.constant 2 : index
    %get3A_187 = arith.constant 0 : index
    %get3A_188 = memref.load %arg4[%get3A_186, %get3A_187] : memref<8x4xf32, #tpu.memory_space<smem>>
    %get3A_189 = arith.constant 0 : index
    %get3A_190 = arith.constant 0 : index
    %get3A_191 = memref.load %arg8[%get3A_189, %get3A_190] : memref<4x2xf32, #tpu.memory_space<smem>>
    %mul3A_192 = arith.mulf %get3A_188, %get3A_191 : f32
    %get3A_193 = arith.constant 2 : index
    %get3A_194 = arith.constant 1 : index
    %get3A_195 = memref.load %arg4[%get3A_193, %get3A_194] : memref<8x4xf32, #tpu.memory_space<smem>>
    %get3A_196 = arith.constant 1 : index
    %get3A_197 = arith.constant 0 : index
    %get3A_198 = memref.load %arg8[%get3A_196, %get3A_197] : memref<4x2xf32, #tpu.memory_space<smem>>
    %mul3A_199 = arith.mulf %get3A_195, %get3A_198 : f32
    %add3A_200 = arith.addf %mul3A_192, %mul3A_199 : f32
    %get3A_201 = arith.constant 2 : index
    %get3A_202 = arith.constant 2 : index
    %get3A_203 = memref.load %arg4[%get3A_201, %get3A_202] : memref<8x4xf32, #tpu.memory_space<smem>>
    %get3A_204 = arith.constant 2 : index
    %get3A_205 = arith.constant 0 : index
    %get3A_206 = memref.load %arg8[%get3A_204, %get3A_205] : memref<4x2xf32, #tpu.memory_space<smem>>
    %mul3A_207 = arith.mulf %get3A_203, %get3A_206 : f32
    %add3A_208 = arith.addf %add3A_200, %mul3A_207 : f32
    %get3A_209 = arith.constant 2 : index
    %get3A_210 = arith.constant 3 : index
    %get3A_211 = memref.load %arg4[%get3A_209, %get3A_210] : memref<8x4xf32, #tpu.memory_space<smem>>
    %get3A_212 = arith.constant 3 : index
    %get3A_213 = arith.constant 0 : index
    %get3A_214 = memref.load %arg8[%get3A_212, %get3A_213] : memref<4x2xf32, #tpu.memory_space<smem>>
    %mul3A_215 = arith.mulf %get3A_211, %get3A_214 : f32
    %add3A_216 = arith.addf %add3A_208, %mul3A_215 : f32
    %mul3A_217 = vector.broadcast %add3A_216 : f32 to vector<512x512xf32>
    %mul3A_218 = arith.mulf %max3A_36, %mul3A_217 : vector<512x512xf32>
    %add3A_219 = arith.addf %add3A_185, %mul3A_218 : vector<512x512xf32>
    %get3A_220 = arith.constant 3 : index
    %get3A_221 = arith.constant 0 : index
    %get3A_222 = memref.load %arg4[%get3A_220, %get3A_221] : memref<8x4xf32, #tpu.memory_space<smem>>
    %get3A_223 = arith.constant 0 : index
    %get3A_224 = arith.constant 0 : index
    %get3A_225 = memref.load %arg8[%get3A_223, %get3A_224] : memref<4x2xf32, #tpu.memory_space<smem>>
    %mul3A_226 = arith.mulf %get3A_222, %get3A_225 : f32
    %get3A_227 = arith.constant 3 : index
    %get3A_228 = arith.constant 1 : index
    %get3A_229 = memref.load %arg4[%get3A_227, %get3A_228] : memref<8x4xf32, #tpu.memory_space<smem>>
    %get3A_230 = arith.constant 1 : index
    %get3A_231 = arith.constant 0 : index
    %get3A_232 = memref.load %arg8[%get3A_230, %get3A_231] : memref<4x2xf32, #tpu.memory_space<smem>>
    %mul3A_233 = arith.mulf %get3A_229, %get3A_232 : f32
    %add3A_234 = arith.addf %mul3A_226, %mul3A_233 : f32
    %get3A_235 = arith.constant 3 : index
    %get3A_236 = arith.constant 2 : index
    %get3A_237 = memref.load %arg4[%get3A_235, %get3A_236] : memref<8x4xf32, #tpu.memory_space<smem>>
    %get3A_238 = arith.constant 2 : index
    %get3A_239 = arith.constant 0 : index
    %get3A_240 = memref.load %arg8[%get3A_238, %get3A_239] : memref<4x2xf32, #tpu.memory_space<smem>>
    %mul3A_241 = arith.mulf %get3A_237, %get3A_240 : f32
    %add3A_242 = arith.addf %add3A_234, %mul3A_241 : f32
    %get3A_243 = arith.constant 3 : index
    %get3A_244 = arith.constant 3 : index
    %get3A_245 = memref.load %arg4[%get3A_243, %get3A_244] : memref<8x4xf32, #tpu.memory_space<smem>>
    %get3A_246 = arith.constant 3 : index
    %get3A_247 = arith.constant 0 : index
    %get3A_248 = memref.load %arg8[%get3A_246, %get3A_247] : memref<4x2xf32, #tpu.memory_space<smem>>
    %mul3A_249 = arith.mulf %get3A_245, %get3A_248 : f32
    %add3A_250 = arith.addf %add3A_242, %mul3A_249 : f32
    %mul3A_251 = vector.broadcast %add3A_250 : f32 to vector<512x512xf32>
    %mul3A_252 = arith.mulf %max3A_44, %mul3A_251 : vector<512x512xf32>
    %add3A_253 = arith.addf %add3A_219, %mul3A_252 : vector<512x512xf32>
    %get3A_254 = arith.constant 4 : index
    %get3A_255 = arith.constant 0 : index
    %get3A_256 = memref.load %arg4[%get3A_254, %get3A_255] : memref<8x4xf32, #tpu.memory_space<smem>>
    %get3A_257 = arith.constant 0 : index
    %get3A_258 = arith.constant 0 : index
    %get3A_259 = memref.load %arg8[%get3A_257, %get3A_258] : memref<4x2xf32, #tpu.memory_space<smem>>
    %mul3A_260 = arith.mulf %get3A_256, %get3A_259 : f32
    %get3A_261 = arith.constant 4 : index
    %get3A_262 = arith.constant 1 : index
    %get3A_263 = memref.load %arg4[%get3A_261, %get3A_262] : memref<8x4xf32, #tpu.memory_space<smem>>
    %get3A_264 = arith.constant 1 : index
    %get3A_265 = arith.constant 0 : index
    %get3A_266 = memref.load %arg8[%get3A_264, %get3A_265] : memref<4x2xf32, #tpu.memory_space<smem>>
    %mul3A_267 = arith.mulf %get3A_263, %get3A_266 : f32
    %add3A_268 = arith.addf %mul3A_260, %mul3A_267 : f32
    %get3A_269 = arith.constant 4 : index
    %get3A_270 = arith.constant 2 : index
    %get3A_271 = memref.load %arg4[%get3A_269, %get3A_270] : memref<8x4xf32, #tpu.memory_space<smem>>
    %get3A_272 = arith.constant 2 : index
    %get3A_273 = arith.constant 0 : index
    %get3A_274 = memref.load %arg8[%get3A_272, %get3A_273] : memref<4x2xf32, #tpu.memory_space<smem>>
    %mul3A_275 = arith.mulf %get3A_271, %get3A_274 : f32
    %add3A_276 = arith.addf %add3A_268, %mul3A_275 : f32
    %get3A_277 = arith.constant 4 : index
    %get3A_278 = arith.constant 3 : index
    %get3A_279 = memref.load %arg4[%get3A_277, %get3A_278] : memref<8x4xf32, #tpu.memory_space<smem>>
    %get3A_280 = arith.constant 3 : index
    %get3A_281 = arith.constant 0 : index
    %get3A_282 = memref.load %arg8[%get3A_280, %get3A_281] : memref<4x2xf32, #tpu.memory_space<smem>>
    %mul3A_283 = arith.mulf %get3A_279, %get3A_282 : f32
    %add3A_284 = arith.addf %add3A_276, %mul3A_283 : f32
    %mul3A_285 = vector.broadcast %add3A_284 : f32 to vector<512x512xf32>
    %mul3A_286 = arith.mulf %max3A_52, %mul3A_285 : vector<512x512xf32>
    %add3A_287 = arith.addf %add3A_253, %mul3A_286 : vector<512x512xf32>
    %get3A_288 = arith.constant 5 : index
    %get3A_289 = arith.constant 0 : index
    %get3A_290 = memref.load %arg4[%get3A_288, %get3A_289] : memref<8x4xf32, #tpu.memory_space<smem>>
    %get3A_291 = arith.constant 0 : index
    %get3A_292 = arith.constant 0 : index
    %get3A_293 = memref.load %arg8[%get3A_291, %get3A_292] : memref<4x2xf32, #tpu.memory_space<smem>>
    %mul3A_294 = arith.mulf %get3A_290, %get3A_293 : f32
    %get3A_295 = arith.constant 5 : index
    %get3A_296 = arith.constant 1 : index
    %get3A_297 = memref.load %arg4[%get3A_295, %get3A_296] : memref<8x4xf32, #tpu.memory_space<smem>>
    %get3A_298 = arith.constant 1 : index
    %get3A_299 = arith.constant 0 : index
    %get3A_300 = memref.load %arg8[%get3A_298, %get3A_299] : memref<4x2xf32, #tpu.memory_space<smem>>
    %mul3A_301 = arith.mulf %get3A_297, %get3A_300 : f32
    %add3A_302 = arith.addf %mul3A_294, %mul3A_301 : f32
    %get3A_303 = arith.constant 5 : index
    %get3A_304 = arith.constant 2 : index
    %get3A_305 = memref.load %arg4[%get3A_303, %get3A_304] : memref<8x4xf32, #tpu.memory_space<smem>>
    %get3A_306 = arith.constant 2 : index
    %get3A_307 = arith.constant 0 : index
    %get3A_308 = memref.load %arg8[%get3A_306, %get3A_307] : memref<4x2xf32, #tpu.memory_space<smem>>
    %mul3A_309 = arith.mulf %get3A_305, %get3A_308 : f32
    %add3A_310 = arith.addf %add3A_302, %mul3A_309 : f32
    %get3A_311 = arith.constant 5 : index
    %get3A_312 = arith.constant 3 : index
    %get3A_313 = memref.load %arg4[%get3A_311, %get3A_312] : memref<8x4xf32, #tpu.memory_space<smem>>
    %get3A_314 = arith.constant 3 : index
    %get3A_315 = arith.constant 0 : index
    %get3A_316 = memref.load %arg8[%get3A_314, %get3A_315] : memref<4x2xf32, #tpu.memory_space<smem>>
    %mul3A_317 = arith.mulf %get3A_313, %get3A_316 : f32
    %add3A_318 = arith.addf %add3A_310, %mul3A_317 : f32
    %mul3A_319 = vector.broadcast %add3A_318 : f32 to vector<512x512xf32>
    %mul3A_320 = arith.mulf %max3A_60, %mul3A_319 : vector<512x512xf32>
    %add3A_321 = arith.addf %add3A_287, %mul3A_320 : vector<512x512xf32>
    %get3A_322 = arith.constant 6 : index
    %get3A_323 = arith.constant 0 : index
    %get3A_324 = memref.load %arg4[%get3A_322, %get3A_323] : memref<8x4xf32, #tpu.memory_space<smem>>
    %get3A_325 = arith.constant 0 : index
    %get3A_326 = arith.constant 0 : index
    %get3A_327 = memref.load %arg8[%get3A_325, %get3A_326] : memref<4x2xf32, #tpu.memory_space<smem>>
    %mul3A_328 = arith.mulf %get3A_324, %get3A_327 : f32
    %get3A_329 = arith.constant 6 : index
    %get3A_330 = arith.constant 1 : index
    %get3A_331 = memref.load %arg4[%get3A_329, %get3A_330] : memref<8x4xf32, #tpu.memory_space<smem>>
    %get3A_332 = arith.constant 1 : index
    %get3A_333 = arith.constant 0 : index
    %get3A_334 = memref.load %arg8[%get3A_332, %get3A_333] : memref<4x2xf32, #tpu.memory_space<smem>>
    %mul3A_335 = arith.mulf %get3A_331, %get3A_334 : f32
    %add3A_336 = arith.addf %mul3A_328, %mul3A_335 : f32
    %get3A_337 = arith.constant 6 : index
    %get3A_338 = arith.constant 2 : index
    %get3A_339 = memref.load %arg4[%get3A_337, %get3A_338] : memref<8x4xf32, #tpu.memory_space<smem>>
    %get3A_340 = arith.constant 2 : index
    %get3A_341 = arith.constant 0 : index
    %get3A_342 = memref.load %arg8[%get3A_340, %get3A_341] : memref<4x2xf32, #tpu.memory_space<smem>>
    %mul3A_343 = arith.mulf %get3A_339, %get3A_342 : f32
    %add3A_344 = arith.addf %add3A_336, %mul3A_343 : f32
    %get3A_345 = arith.constant 6 : index
    %get3A_346 = arith.constant 3 : index
    %get3A_347 = memref.load %arg4[%get3A_345, %get3A_346] : memref<8x4xf32, #tpu.memory_space<smem>>
    %get3A_348 = arith.constant 3 : index
    %get3A_349 = arith.constant 0 : index
    %get3A_350 = memref.load %arg8[%get3A_348, %get3A_349] : memref<4x2xf32, #tpu.memory_space<smem>>
    %mul3A_351 = arith.mulf %get3A_347, %get3A_350 : f32
    %add3A_352 = arith.addf %add3A_344, %mul3A_351 : f32
    %mul3A_353 = vector.broadcast %add3A_352 : f32 to vector<512x512xf32>
    %mul3A_354 = arith.mulf %max3A_68, %mul3A_353 : vector<512x512xf32>
    %add3A_355 = arith.addf %add3A_321, %mul3A_354 : vector<512x512xf32>
    %get3A_356 = arith.constant 7 : index
    %get3A_357 = arith.constant 0 : index
    %get3A_358 = memref.load %arg4[%get3A_356, %get3A_357] : memref<8x4xf32, #tpu.memory_space<smem>>
    %get3A_359 = arith.constant 0 : index
    %get3A_360 = arith.constant 0 : index
    %get3A_361 = memref.load %arg8[%get3A_359, %get3A_360] : memref<4x2xf32, #tpu.memory_space<smem>>
    %mul3A_362 = arith.mulf %get3A_358, %get3A_361 : f32
    %get3A_363 = arith.constant 7 : index
    %get3A_364 = arith.constant 1 : index
    %get3A_365 = memref.load %arg4[%get3A_363, %get3A_364] : memref<8x4xf32, #tpu.memory_space<smem>>
    %get3A_366 = arith.constant 1 : index
    %get3A_367 = arith.constant 0 : index
    %get3A_368 = memref.load %arg8[%get3A_366, %get3A_367] : memref<4x2xf32, #tpu.memory_space<smem>>
    %mul3A_369 = arith.mulf %get3A_365, %get3A_368 : f32
    %add3A_370 = arith.addf %mul3A_362, %mul3A_369 : f32
    %get3A_371 = arith.constant 7 : index
    %get3A_372 = arith.constant 2 : index
    %get3A_373 = memref.load %arg4[%get3A_371, %get3A_372] : memref<8x4xf32, #tpu.memory_space<smem>>
    %get3A_374 = arith.constant 2 : index
    %get3A_375 = arith.constant 0 : index
    %get3A_376 = memref.load %arg8[%get3A_374, %get3A_375] : memref<4x2xf32, #tpu.memory_space<smem>>
    %mul3A_377 = arith.mulf %get3A_373, %get3A_376 : f32
    %add3A_378 = arith.addf %add3A_370, %mul3A_377 : f32
    %get3A_379 = arith.constant 7 : index
    %get3A_380 = arith.constant 3 : index
    %get3A_381 = memref.load %arg4[%get3A_379, %get3A_380] : memref<8x4xf32, #tpu.memory_space<smem>>
    %get3A_382 = arith.constant 3 : index
    %get3A_383 = arith.constant 0 : index
    %get3A_384 = memref.load %arg8[%get3A_382, %get3A_383] : memref<4x2xf32, #tpu.memory_space<smem>>
    %mul3A_385 = arith.mulf %get3A_381, %get3A_384 : f32
    %add3A_386 = arith.addf %add3A_378, %mul3A_385 : f32
    %mul3A_387 = vector.broadcast %add3A_386 : f32 to vector<512x512xf32>
    %mul3A_388 = arith.mulf %max3A_76, %mul3A_387 : vector<512x512xf32>
    %add3A_389 = arith.addf %add3A_355, %mul3A_388 : vector<512x512xf32>
    %max3A_390 = arith.constant 0.000000e+00 : f32
    %max3A_391 = vector.broadcast %max3A_390 : f32 to vector<512x512xf32>
    %max3A_392 = arith.maximumf %add3A_389, %max3A_391 : vector<512x512xf32>
    %get3A_393 = arith.constant 0 : index
    %get3A_394 = memref.load %arg5[%get3A_393] : memref<4xf32, #tpu.memory_space<smem>>
    %get3A_395 = arith.constant 0 : index
    %get3A_396 = arith.constant 1 : index
    %get3A_397 = memref.load %arg8[%get3A_395, %get3A_396] : memref<4x2xf32, #tpu.memory_space<smem>>
    %mul3A_398 = arith.mulf %get3A_394, %get3A_397 : f32
    %get3A_399 = arith.constant 1 : index
    %get3A_400 = memref.load %arg5[%get3A_399] : memref<4xf32, #tpu.memory_space<smem>>
    %get3A_401 = arith.constant 1 : index
    %get3A_402 = arith.constant 1 : index
    %get3A_403 = memref.load %arg8[%get3A_401, %get3A_402] : memref<4x2xf32, #tpu.memory_space<smem>>
    %mul3A_404 = arith.mulf %get3A_400, %get3A_403 : f32
    %add3A_405 = arith.addf %mul3A_398, %mul3A_404 : f32
    %get3A_406 = arith.constant 2 : index
    %get3A_407 = memref.load %arg5[%get3A_406] : memref<4xf32, #tpu.memory_space<smem>>
    %get3A_408 = arith.constant 2 : index
    %get3A_409 = arith.constant 1 : index
    %get3A_410 = memref.load %arg8[%get3A_408, %get3A_409] : memref<4x2xf32, #tpu.memory_space<smem>>
    %mul3A_411 = arith.mulf %get3A_407, %get3A_410 : f32
    %add3A_412 = arith.addf %add3A_405, %mul3A_411 : f32
    %get3A_413 = arith.constant 3 : index
    %get3A_414 = memref.load %arg5[%get3A_413] : memref<4xf32, #tpu.memory_space<smem>>
    %get3A_415 = arith.constant 3 : index
    %get3A_416 = arith.constant 1 : index
    %get3A_417 = memref.load %arg8[%get3A_415, %get3A_416] : memref<4x2xf32, #tpu.memory_space<smem>>
    %mul3A_418 = arith.mulf %get3A_414, %get3A_417 : f32
    %add3A_419 = arith.addf %add3A_412, %mul3A_418 : f32
    %slice3A_420 = vector.extract_strided_slice %add3A_87 {offsets = [0, 1], sizes = [512, 1], strides = [1, 1]} : vector<512x2xf32> to vector<512x1xf32>
    %add3A_421 = vector.broadcast %add3A_419 : f32 to vector<512x1xf32>
    %add3A_422 = arith.addf %slice3A_420, %add3A_421 : vector<512x1xf32>
    %get3A_423 = arith.constant 0 : index
    %get3A_424 = arith.constant 0 : index
    %get3A_425 = memref.load %arg4[%get3A_423, %get3A_424] : memref<8x4xf32, #tpu.memory_space<smem>>
    %get3A_426 = arith.constant 0 : index
    %get3A_427 = arith.constant 1 : index
    %get3A_428 = memref.load %arg8[%get3A_426, %get3A_427] : memref<4x2xf32, #tpu.memory_space<smem>>
    %mul3A_429 = arith.mulf %get3A_425, %get3A_428 : f32
    %get3A_430 = arith.constant 0 : index
    %get3A_431 = arith.constant 1 : index
    %get3A_432 = memref.load %arg4[%get3A_430, %get3A_431] : memref<8x4xf32, #tpu.memory_space<smem>>
    %get3A_433 = arith.constant 1 : index
    %get3A_434 = arith.constant 1 : index
    %get3A_435 = memref.load %arg8[%get3A_433, %get3A_434] : memref<4x2xf32, #tpu.memory_space<smem>>
    %mul3A_436 = arith.mulf %get3A_432, %get3A_435 : f32
    %add3A_437 = arith.addf %mul3A_429, %mul3A_436 : f32
    %get3A_438 = arith.constant 0 : index
    %get3A_439 = arith.constant 2 : index
    %get3A_440 = memref.load %arg4[%get3A_438, %get3A_439] : memref<8x4xf32, #tpu.memory_space<smem>>
    %get3A_441 = arith.constant 2 : index
    %get3A_442 = arith.constant 1 : index
    %get3A_443 = memref.load %arg8[%get3A_441, %get3A_442] : memref<4x2xf32, #tpu.memory_space<smem>>
    %mul3A_444 = arith.mulf %get3A_440, %get3A_443 : f32
    %add3A_445 = arith.addf %add3A_437, %mul3A_444 : f32
    %get3A_446 = arith.constant 0 : index
    %get3A_447 = arith.constant 3 : index
    %get3A_448 = memref.load %arg4[%get3A_446, %get3A_447] : memref<8x4xf32, #tpu.memory_space<smem>>
    %get3A_449 = arith.constant 3 : index
    %get3A_450 = arith.constant 1 : index
    %get3A_451 = memref.load %arg8[%get3A_449, %get3A_450] : memref<4x2xf32, #tpu.memory_space<smem>>
    %mul3A_452 = arith.mulf %get3A_448, %get3A_451 : f32
    %add3A_453 = arith.addf %add3A_445, %mul3A_452 : f32
    %mul3A_454 = vector.broadcast %add3A_453 : f32 to vector<512x512xf32>
    %mul3A_455 = arith.mulf %max3A_20, %mul3A_454 : vector<512x512xf32>
    %add3A_456 = vector.broadcast %add3A_422 : vector<512x1xf32> to vector<512x512xf32>
    %add3A_457 = arith.addf %add3A_456, %mul3A_455 : vector<512x512xf32>
    %get3A_458 = arith.constant 1 : index
    %get3A_459 = arith.constant 0 : index
    %get3A_460 = memref.load %arg4[%get3A_458, %get3A_459] : memref<8x4xf32, #tpu.memory_space<smem>>
    %get3A_461 = arith.constant 0 : index
    %get3A_462 = arith.constant 1 : index
    %get3A_463 = memref.load %arg8[%get3A_461, %get3A_462] : memref<4x2xf32, #tpu.memory_space<smem>>
    %mul3A_464 = arith.mulf %get3A_460, %get3A_463 : f32
    %get3A_465 = arith.constant 1 : index
    %get3A_466 = arith.constant 1 : index
    %get3A_467 = memref.load %arg4[%get3A_465, %get3A_466] : memref<8x4xf32, #tpu.memory_space<smem>>
    %get3A_468 = arith.constant 1 : index
    %get3A_469 = arith.constant 1 : index
    %get3A_470 = memref.load %arg8[%get3A_468, %get3A_469] : memref<4x2xf32, #tpu.memory_space<smem>>
    %mul3A_471 = arith.mulf %get3A_467, %get3A_470 : f32
    %add3A_472 = arith.addf %mul3A_464, %mul3A_471 : f32
    %get3A_473 = arith.constant 1 : index
    %get3A_474 = arith.constant 2 : index
    %get3A_475 = memref.load %arg4[%get3A_473, %get3A_474] : memref<8x4xf32, #tpu.memory_space<smem>>
    %get3A_476 = arith.constant 2 : index
    %get3A_477 = arith.constant 1 : index
    %get3A_478 = memref.load %arg8[%get3A_476, %get3A_477] : memref<4x2xf32, #tpu.memory_space<smem>>
    %mul3A_479 = arith.mulf %get3A_475, %get3A_478 : f32
    %add3A_480 = arith.addf %add3A_472, %mul3A_479 : f32
    %get3A_481 = arith.constant 1 : index
    %get3A_482 = arith.constant 3 : index
    %get3A_483 = memref.load %arg4[%get3A_481, %get3A_482] : memref<8x4xf32, #tpu.memory_space<smem>>
    %get3A_484 = arith.constant 3 : index
    %get3A_485 = arith.constant 1 : index
    %get3A_486 = memref.load %arg8[%get3A_484, %get3A_485] : memref<4x2xf32, #tpu.memory_space<smem>>
    %mul3A_487 = arith.mulf %get3A_483, %get3A_486 : f32
    %add3A_488 = arith.addf %add3A_480, %mul3A_487 : f32
    %mul3A_489 = vector.broadcast %add3A_488 : f32 to vector<512x512xf32>
    %mul3A_490 = arith.mulf %max3A_28, %mul3A_489 : vector<512x512xf32>
    %add3A_491 = arith.addf %add3A_457, %mul3A_490 : vector<512x512xf32>
    %get3A_492 = arith.constant 2 : index
    %get3A_493 = arith.constant 0 : index
    %get3A_494 = memref.load %arg4[%get3A_492, %get3A_493] : memref<8x4xf32, #tpu.memory_space<smem>>
    %get3A_495 = arith.constant 0 : index
    %get3A_496 = arith.constant 1 : index
    %get3A_497 = memref.load %arg8[%get3A_495, %get3A_496] : memref<4x2xf32, #tpu.memory_space<smem>>
    %mul3A_498 = arith.mulf %get3A_494, %get3A_497 : f32
    %get3A_499 = arith.constant 2 : index
    %get3A_500 = arith.constant 1 : index
    %get3A_501 = memref.load %arg4[%get3A_499, %get3A_500] : memref<8x4xf32, #tpu.memory_space<smem>>
    %get3A_502 = arith.constant 1 : index
    %get3A_503 = arith.constant 1 : index
    %get3A_504 = memref.load %arg8[%get3A_502, %get3A_503] : memref<4x2xf32, #tpu.memory_space<smem>>
    %mul3A_505 = arith.mulf %get3A_501, %get3A_504 : f32
    %add3A_506 = arith.addf %mul3A_498, %mul3A_505 : f32
    %get3A_507 = arith.constant 2 : index
    %get3A_508 = arith.constant 2 : index
    %get3A_509 = memref.load %arg4[%get3A_507, %get3A_508] : memref<8x4xf32, #tpu.memory_space<smem>>
    %get3A_510 = arith.constant 2 : index
    %get3A_511 = arith.constant 1 : index
    %get3A_512 = memref.load %arg8[%get3A_510, %get3A_511] : memref<4x2xf32, #tpu.memory_space<smem>>
    %mul3A_513 = arith.mulf %get3A_509, %get3A_512 : f32
    %add3A_514 = arith.addf %add3A_506, %mul3A_513 : f32
    %get3A_515 = arith.constant 2 : index
    %get3A_516 = arith.constant 3 : index
    %get3A_517 = memref.load %arg4[%get3A_515, %get3A_516] : memref<8x4xf32, #tpu.memory_space<smem>>
    %get3A_518 = arith.constant 3 : index
    %get3A_519 = arith.constant 1 : index
    %get3A_520 = memref.load %arg8[%get3A_518, %get3A_519] : memref<4x2xf32, #tpu.memory_space<smem>>
    %mul3A_521 = arith.mulf %get3A_517, %get3A_520 : f32
    %add3A_522 = arith.addf %add3A_514, %mul3A_521 : f32
    %mul3A_523 = vector.broadcast %add3A_522 : f32 to vector<512x512xf32>
    %mul3A_524 = arith.mulf %max3A_36, %mul3A_523 : vector<512x512xf32>
    %add3A_525 = arith.addf %add3A_491, %mul3A_524 : vector<512x512xf32>
    %get3A_526 = arith.constant 3 : index
    %get3A_527 = arith.constant 0 : index
    %get3A_528 = memref.load %arg4[%get3A_526, %get3A_527] : memref<8x4xf32, #tpu.memory_space<smem>>
    %get3A_529 = arith.constant 0 : index
    %get3A_530 = arith.constant 1 : index
    %get3A_531 = memref.load %arg8[%get3A_529, %get3A_530] : memref<4x2xf32, #tpu.memory_space<smem>>
    %mul3A_532 = arith.mulf %get3A_528, %get3A_531 : f32
    %get3A_533 = arith.constant 3 : index
    %get3A_534 = arith.constant 1 : index
    %get3A_535 = memref.load %arg4[%get3A_533, %get3A_534] : memref<8x4xf32, #tpu.memory_space<smem>>
    %get3A_536 = arith.constant 1 : index
    %get3A_537 = arith.constant 1 : index
    %get3A_538 = memref.load %arg8[%get3A_536, %get3A_537] : memref<4x2xf32, #tpu.memory_space<smem>>
    %mul3A_539 = arith.mulf %get3A_535, %get3A_538 : f32
    %add3A_540 = arith.addf %mul3A_532, %mul3A_539 : f32
    %get3A_541 = arith.constant 3 : index
    %get3A_542 = arith.constant 2 : index
    %get3A_543 = memref.load %arg4[%get3A_541, %get3A_542] : memref<8x4xf32, #tpu.memory_space<smem>>
    %get3A_544 = arith.constant 2 : index
    %get3A_545 = arith.constant 1 : index
    %get3A_546 = memref.load %arg8[%get3A_544, %get3A_545] : memref<4x2xf32, #tpu.memory_space<smem>>
    %mul3A_547 = arith.mulf %get3A_543, %get3A_546 : f32
    %add3A_548 = arith.addf %add3A_540, %mul3A_547 : f32
    %get3A_549 = arith.constant 3 : index
    %get3A_550 = arith.constant 3 : index
    %get3A_551 = memref.load %arg4[%get3A_549, %get3A_550] : memref<8x4xf32, #tpu.memory_space<smem>>
    %get3A_552 = arith.constant 3 : index
    %get3A_553 = arith.constant 1 : index
    %get3A_554 = memref.load %arg8[%get3A_552, %get3A_553] : memref<4x2xf32, #tpu.memory_space<smem>>
    %mul3A_555 = arith.mulf %get3A_551, %get3A_554 : f32
    %add3A_556 = arith.addf %add3A_548, %mul3A_555 : f32
    %mul3A_557 = vector.broadcast %add3A_556 : f32 to vector<512x512xf32>
    %mul3A_558 = arith.mulf %max3A_44, %mul3A_557 : vector<512x512xf32>
    %add3A_559 = arith.addf %add3A_525, %mul3A_558 : vector<512x512xf32>
    %get3A_560 = arith.constant 4 : index
    %get3A_561 = arith.constant 0 : index
    %get3A_562 = memref.load %arg4[%get3A_560, %get3A_561] : memref<8x4xf32, #tpu.memory_space<smem>>
    %get3A_563 = arith.constant 0 : index
    %get3A_564 = arith.constant 1 : index
    %get3A_565 = memref.load %arg8[%get3A_563, %get3A_564] : memref<4x2xf32, #tpu.memory_space<smem>>
    %mul3A_566 = arith.mulf %get3A_562, %get3A_565 : f32
    %get3A_567 = arith.constant 4 : index
    %get3A_568 = arith.constant 1 : index
    %get3A_569 = memref.load %arg4[%get3A_567, %get3A_568] : memref<8x4xf32, #tpu.memory_space<smem>>
    %get3A_570 = arith.constant 1 : index
    %get3A_571 = arith.constant 1 : index
    %get3A_572 = memref.load %arg8[%get3A_570, %get3A_571] : memref<4x2xf32, #tpu.memory_space<smem>>
    %mul3A_573 = arith.mulf %get3A_569, %get3A_572 : f32
    %add3A_574 = arith.addf %mul3A_566, %mul3A_573 : f32
    %get3A_575 = arith.constant 4 : index
    %get3A_576 = arith.constant 2 : index
    %get3A_577 = memref.load %arg4[%get3A_575, %get3A_576] : memref<8x4xf32, #tpu.memory_space<smem>>
    %get3A_578 = arith.constant 2 : index
    %get3A_579 = arith.constant 1 : index
    %get3A_580 = memref.load %arg8[%get3A_578, %get3A_579] : memref<4x2xf32, #tpu.memory_space<smem>>
    %mul3A_581 = arith.mulf %get3A_577, %get3A_580 : f32
    %add3A_582 = arith.addf %add3A_574, %mul3A_581 : f32
    %get3A_583 = arith.constant 4 : index
    %get3A_584 = arith.constant 3 : index
    %get3A_585 = memref.load %arg4[%get3A_583, %get3A_584] : memref<8x4xf32, #tpu.memory_space<smem>>
    %get3A_586 = arith.constant 3 : index
    %get3A_587 = arith.constant 1 : index
    %get3A_588 = memref.load %arg8[%get3A_586, %get3A_587] : memref<4x2xf32, #tpu.memory_space<smem>>
    %mul3A_589 = arith.mulf %get3A_585, %get3A_588 : f32
    %add3A_590 = arith.addf %add3A_582, %mul3A_589 : f32
    %mul3A_591 = vector.broadcast %add3A_590 : f32 to vector<512x512xf32>
    %mul3A_592 = arith.mulf %max3A_52, %mul3A_591 : vector<512x512xf32>
    %add3A_593 = arith.addf %add3A_559, %mul3A_592 : vector<512x512xf32>
    %get3A_594 = arith.constant 5 : index
    %get3A_595 = arith.constant 0 : index
    %get3A_596 = memref.load %arg4[%get3A_594, %get3A_595] : memref<8x4xf32, #tpu.memory_space<smem>>
    %get3A_597 = arith.constant 0 : index
    %get3A_598 = arith.constant 1 : index
    %get3A_599 = memref.load %arg8[%get3A_597, %get3A_598] : memref<4x2xf32, #tpu.memory_space<smem>>
    %mul3A_600 = arith.mulf %get3A_596, %get3A_599 : f32
    %get3A_601 = arith.constant 5 : index
    %get3A_602 = arith.constant 1 : index
    %get3A_603 = memref.load %arg4[%get3A_601, %get3A_602] : memref<8x4xf32, #tpu.memory_space<smem>>
    %get3A_604 = arith.constant 1 : index
    %get3A_605 = arith.constant 1 : index
    %get3A_606 = memref.load %arg8[%get3A_604, %get3A_605] : memref<4x2xf32, #tpu.memory_space<smem>>
    %mul3A_607 = arith.mulf %get3A_603, %get3A_606 : f32
    %add3A_608 = arith.addf %mul3A_600, %mul3A_607 : f32
    %get3A_609 = arith.constant 5 : index
    %get3A_610 = arith.constant 2 : index
    %get3A_611 = memref.load %arg4[%get3A_609, %get3A_610] : memref<8x4xf32, #tpu.memory_space<smem>>
    %get3A_612 = arith.constant 2 : index
    %get3A_613 = arith.constant 1 : index
    %get3A_614 = memref.load %arg8[%get3A_612, %get3A_613] : memref<4x2xf32, #tpu.memory_space<smem>>
    %mul3A_615 = arith.mulf %get3A_611, %get3A_614 : f32
    %add3A_616 = arith.addf %add3A_608, %mul3A_615 : f32
    %get3A_617 = arith.constant 5 : index
    %get3A_618 = arith.constant 3 : index
    %get3A_619 = memref.load %arg4[%get3A_617, %get3A_618] : memref<8x4xf32, #tpu.memory_space<smem>>
    %get3A_620 = arith.constant 3 : index
    %get3A_621 = arith.constant 1 : index
    %get3A_622 = memref.load %arg8[%get3A_620, %get3A_621] : memref<4x2xf32, #tpu.memory_space<smem>>
    %mul3A_623 = arith.mulf %get3A_619, %get3A_622 : f32
    %add3A_624 = arith.addf %add3A_616, %mul3A_623 : f32
    %mul3A_625 = vector.broadcast %add3A_624 : f32 to vector<512x512xf32>
    %mul3A_626 = arith.mulf %max3A_60, %mul3A_625 : vector<512x512xf32>
    %add3A_627 = arith.addf %add3A_593, %mul3A_626 : vector<512x512xf32>
    %get3A_628 = arith.constant 6 : index
    %get3A_629 = arith.constant 0 : index
    %get3A_630 = memref.load %arg4[%get3A_628, %get3A_629] : memref<8x4xf32, #tpu.memory_space<smem>>
    %get3A_631 = arith.constant 0 : index
    %get3A_632 = arith.constant 1 : index
    %get3A_633 = memref.load %arg8[%get3A_631, %get3A_632] : memref<4x2xf32, #tpu.memory_space<smem>>
    %mul3A_634 = arith.mulf %get3A_630, %get3A_633 : f32
    %get3A_635 = arith.constant 6 : index
    %get3A_636 = arith.constant 1 : index
    %get3A_637 = memref.load %arg4[%get3A_635, %get3A_636] : memref<8x4xf32, #tpu.memory_space<smem>>
    %get3A_638 = arith.constant 1 : index
    %get3A_639 = arith.constant 1 : index
    %get3A_640 = memref.load %arg8[%get3A_638, %get3A_639] : memref<4x2xf32, #tpu.memory_space<smem>>
    %mul3A_641 = arith.mulf %get3A_637, %get3A_640 : f32
    %add3A_642 = arith.addf %mul3A_634, %mul3A_641 : f32
    %get3A_643 = arith.constant 6 : index
    %get3A_644 = arith.constant 2 : index
    %get3A_645 = memref.load %arg4[%get3A_643, %get3A_644] : memref<8x4xf32, #tpu.memory_space<smem>>
    %get3A_646 = arith.constant 2 : index
    %get3A_647 = arith.constant 1 : index
    %get3A_648 = memref.load %arg8[%get3A_646, %get3A_647] : memref<4x2xf32, #tpu.memory_space<smem>>
    %mul3A_649 = arith.mulf %get3A_645, %get3A_648 : f32
    %add3A_650 = arith.addf %add3A_642, %mul3A_649 : f32
    %get3A_651 = arith.constant 6 : index
    %get3A_652 = arith.constant 3 : index
    %get3A_653 = memref.load %arg4[%get3A_651, %get3A_652] : memref<8x4xf32, #tpu.memory_space<smem>>
    %get3A_654 = arith.constant 3 : index
    %get3A_655 = arith.constant 1 : index
    %get3A_656 = memref.load %arg8[%get3A_654, %get3A_655] : memref<4x2xf32, #tpu.memory_space<smem>>
    %mul3A_657 = arith.mulf %get3A_653, %get3A_656 : f32
    %add3A_658 = arith.addf %add3A_650, %mul3A_657 : f32
    %mul3A_659 = vector.broadcast %add3A_658 : f32 to vector<512x512xf32>
    %mul3A_660 = arith.mulf %max3A_68, %mul3A_659 : vector<512x512xf32>
    %add3A_661 = arith.addf %add3A_627, %mul3A_660 : vector<512x512xf32>
    %get3A_662 = arith.constant 7 : index
    %get3A_663 = arith.constant 0 : index
    %get3A_664 = memref.load %arg4[%get3A_662, %get3A_663] : memref<8x4xf32, #tpu.memory_space<smem>>
    %get3A_665 = arith.constant 0 : index
    %get3A_666 = arith.constant 1 : index
    %get3A_667 = memref.load %arg8[%get3A_665, %get3A_666] : memref<4x2xf32, #tpu.memory_space<smem>>
    %mul3A_668 = arith.mulf %get3A_664, %get3A_667 : f32
    %get3A_669 = arith.constant 7 : index
    %get3A_670 = arith.constant 1 : index
    %get3A_671 = memref.load %arg4[%get3A_669, %get3A_670] : memref<8x4xf32, #tpu.memory_space<smem>>
    %get3A_672 = arith.constant 1 : index
    %get3A_673 = arith.constant 1 : index
    %get3A_674 = memref.load %arg8[%get3A_672, %get3A_673] : memref<4x2xf32, #tpu.memory_space<smem>>
    %mul3A_675 = arith.mulf %get3A_671, %get3A_674 : f32
    %add3A_676 = arith.addf %mul3A_668, %mul3A_675 : f32
    %get3A_677 = arith.constant 7 : index
    %get3A_678 = arith.constant 2 : index
    %get3A_679 = memref.load %arg4[%get3A_677, %get3A_678] : memref<8x4xf32, #tpu.memory_space<smem>>
    %get3A_680 = arith.constant 2 : index
    %get3A_681 = arith.constant 1 : index
    %get3A_682 = memref.load %arg8[%get3A_680, %get3A_681] : memref<4x2xf32, #tpu.memory_space<smem>>
    %mul3A_683 = arith.mulf %get3A_679, %get3A_682 : f32
    %add3A_684 = arith.addf %add3A_676, %mul3A_683 : f32
    %get3A_685 = arith.constant 7 : index
    %get3A_686 = arith.constant 3 : index
    %get3A_687 = memref.load %arg4[%get3A_685, %get3A_686] : memref<8x4xf32, #tpu.memory_space<smem>>
    %get3A_688 = arith.constant 3 : index
    %get3A_689 = arith.constant 1 : index
    %get3A_690 = memref.load %arg8[%get3A_688, %get3A_689] : memref<4x2xf32, #tpu.memory_space<smem>>
    %mul3A_691 = arith.mulf %get3A_687, %get3A_690 : f32
    %add3A_692 = arith.addf %add3A_684, %mul3A_691 : f32
    %mul3A_693 = vector.broadcast %add3A_692 : f32 to vector<512x512xf32>
    %mul3A_694 = arith.mulf %max3A_76, %mul3A_693 : vector<512x512xf32>
    %add3A_695 = arith.addf %add3A_661, %mul3A_694 : vector<512x512xf32>
    %max3A_696 = arith.constant 0.000000e+00 : f32
    %max3A_697 = vector.broadcast %max3A_696 : f32 to vector<512x512xf32>
    %max3A_698 = arith.maximumf %add3A_695, %max3A_697 : vector<512x512xf32>
    %get3A_699 = arith.constant 0 : index
    %get3A_700 = memref.load %arg9[%get3A_699] : memref<2xf32, #tpu.memory_space<smem>>
    %mul3A_701 = vector.broadcast %get3A_700 : f32 to vector<512x512xf32>
    %mul3A_702 = arith.mulf %max3A_392, %mul3A_701 : vector<512x512xf32>
    %get3A_703 = arith.constant 1 : index
    %get3A_704 = memref.load %arg9[%get3A_703] : memref<2xf32, #tpu.memory_space<smem>>
    %mul3A_705 = vector.broadcast %get3A_704 : f32 to vector<512x512xf32>
    %mul3A_706 = arith.mulf %max3A_698, %mul3A_705 : vector<512x512xf32>
    %add3A_707 = arith.addf %mul3A_702, %mul3A_706 : vector<512x512xf32>
    %get3A_708 = arith.constant 0 : index
    %get3A_709 = memref.load %arg10[%get3A_708] : memref<1xf32, #tpu.memory_space<smem>>
    %add3A_710 = vector.broadcast %get3A_709 : f32 to vector<512x512xf32>
    %add3A_711 = arith.addf %add3A_707, %add3A_710 : vector<512x512xf32>
    %neg3A = arith.constant 0.000000e+00 : f32
    %neg3A_712 = vector.broadcast %neg3A : f32 to vector<512x512xf32>
    %neg3A_713 = arith.subf %neg3A_712, %add3A_711 : vector<512x512xf32>
    %exp3A = math.exp %neg3A_713 : vector<512x512xf32>
    %add3A_714 = arith.constant 1.000000e+00 : f32
    %add3A_715 = vector.broadcast %add3A_714 : f32 to vector<512x512xf32>
    %add3A_716 = arith.addf %add3A_715, %exp3A : vector<512x512xf32>
    %div3A = arith.constant 1.000000e+00 : f32
    %div3A_717 = vector.broadcast %div3A : f32 to vector<512x512xf32>
    %div3A_718 = arith.divf %div3A_717, %add3A_716 : vector<512x512xf32>
    %get3A_719 = arith.constant 0 : index
    %get3A_720 = arith.constant 0 : index
    %get3A_721 = vector.load %arg11[%get3A_719, %get3A_720] : memref<64x64xf32, #tpu.memory_space<vmem>>, vector<64x64xf32>
    %dot_general3A_722 = arith.constant dense<0.000000e+00> : vector<512x64xf32>
    %dot_general3A_723 = tpu.matmul %get3A_1, %get3A_721, %dot_general3A_722 {dimension_numbers = #tpu.dot_dimension_numbers<[1], [0], [0], [1], [0, 0, 1, 1], [], []>, transpose_lhs_hint = false} : vector<512x64xf32>, vector<64x64xf32>, vector<512x64xf32> -> vector<512x64xf32>
    %get3A_724 = arith.constant 0 : index
    %get3A_725 = arith.constant 0 : index
    %get3A_726 = vector.load %arg12[%get3A_724, %get3A_725] : memref<1x64xf32, #tpu.memory_space<vmem>>, vector<1x64xf32>
    %add3A_727 = vector.broadcast %get3A_726 : vector<1x64xf32> to vector<512x64xf32>
    %add3A_728 = arith.addf %dot_general3A_723, %add3A_727 : vector<512x64xf32>
    %jit3A = arith.constant 0.000000e+00 : f32
    %broadcast_in_dim3A = vector.broadcast %jit3A : f32 to vector<512x512xf32>
    %select_n3A = arith.select %ne3A, %div3A_718, %broadcast_in_dim3A : vector<512x512xi1>, vector<512x512xf32>
    %dot_general3A_729 = arith.constant dense<0.000000e+00> : vector<512x64xf32>
    %dot_general3A_730 = tpu.matmul %select_n3A, %add3A_728, %dot_general3A_729 {dimension_numbers = #tpu.dot_dimension_numbers<[0], [0], [1], [1], [0, 1, 1, 1], [], []>, transpose_lhs_hint = false} : vector<512x512xf32>, vector<512x64xf32>, vector<512x64xf32> -> vector<512x64xf32>
    %max3A_731 = arith.constant 0.000000e+00 : f32
    %max3A_732 = vector.broadcast %max3A_731 : f32 to vector<512x64xf32>
    %max3A_733 = arith.maximumf %dot_general3A_730, %max3A_732 : vector<512x64xf32>
    %get3A_734 = arith.constant 0 : index
    %get3A_735 = arith.constant 0 : index
    %get3A_736 = vector.load %arg13[%get3A_734, %get3A_735] : memref<64x2xf32, #tpu.memory_space<vmem>>, vector<64x2xf32>
    %dot_general3A_737 = arith.constant dense<0.000000e+00> : vector<512x2xf32>
    %dot_general3A_738 = tpu.matmul %max3A_733, %get3A_736, %dot_general3A_737 {dimension_numbers = #tpu.dot_dimension_numbers<[1], [0], [0], [1], [0, 0, 1, 1], [], []>, transpose_lhs_hint = false} : vector<512x64xf32>, vector<64x2xf32>, vector<512x2xf32> -> vector<512x2xf32>
    %get3A_739 = arith.constant 0 : index
    %get3A_740 = arith.constant 0 : index
    %get3A_741 = vector.load %arg14[%get3A_739, %get3A_740] : memref<1x2xf32, #tpu.memory_space<vmem>>, vector<1x2xf32>
    %add3A_742 = vector.broadcast %get3A_741 : vector<1x2xf32> to vector<512x2xf32>
    %add3A_743 = arith.addf %dot_general3A_738, %add3A_742 : vector<512x2xf32>
    %get3A_744 = arith.constant 0 : index
    %get3A_745 = memref.load %arg5[%get3A_744] : memref<4xf32, #tpu.memory_space<smem>>
    %get3A_746 = arith.constant 0 : index
    %get3A_747 = arith.constant 0 : index
    %get3A_748 = memref.load %arg15[%get3A_746, %get3A_747] : memref<4x2xf32, #tpu.memory_space<smem>>
    %mul3A_749 = arith.mulf %get3A_745, %get3A_748 : f32
    %get3A_750 = arith.constant 1 : index
    %get3A_751 = memref.load %arg5[%get3A_750] : memref<4xf32, #tpu.memory_space<smem>>
    %get3A_752 = arith.constant 1 : index
    %get3A_753 = arith.constant 0 : index
    %get3A_754 = memref.load %arg15[%get3A_752, %get3A_753] : memref<4x2xf32, #tpu.memory_space<smem>>
    %mul3A_755 = arith.mulf %get3A_751, %get3A_754 : f32
    %add3A_756 = arith.addf %mul3A_749, %mul3A_755 : f32
    %get3A_757 = arith.constant 2 : index
    %get3A_758 = memref.load %arg5[%get3A_757] : memref<4xf32, #tpu.memory_space<smem>>
    %get3A_759 = arith.constant 2 : index
    %get3A_760 = arith.constant 0 : index
    %get3A_761 = memref.load %arg15[%get3A_759, %get3A_760] : memref<4x2xf32, #tpu.memory_space<smem>>
    %mul3A_762 = arith.mulf %get3A_758, %get3A_761 : f32
    %add3A_763 = arith.addf %add3A_756, %mul3A_762 : f32
    %get3A_764 = arith.constant 3 : index
    %get3A_765 = memref.load %arg5[%get3A_764] : memref<4xf32, #tpu.memory_space<smem>>
    %get3A_766 = arith.constant 3 : index
    %get3A_767 = arith.constant 0 : index
    %get3A_768 = memref.load %arg15[%get3A_766, %get3A_767] : memref<4x2xf32, #tpu.memory_space<smem>>
    %mul3A_769 = arith.mulf %get3A_765, %get3A_768 : f32
    %add3A_770 = arith.addf %add3A_763, %mul3A_769 : f32
    %slice3A_771 = vector.extract_strided_slice %add3A_743 {offsets = [0, 0], sizes = [512, 1], strides = [1, 1]} : vector<512x2xf32> to vector<512x1xf32>
    %add3A_772 = vector.broadcast %add3A_770 : f32 to vector<512x1xf32>
    %add3A_773 = arith.addf %slice3A_771, %add3A_772 : vector<512x1xf32>
    %get3A_774 = arith.constant 0 : index
    %get3A_775 = arith.constant 0 : index
    %get3A_776 = memref.load %arg4[%get3A_774, %get3A_775] : memref<8x4xf32, #tpu.memory_space<smem>>
    %get3A_777 = arith.constant 0 : index
    %get3A_778 = arith.constant 0 : index
    %get3A_779 = memref.load %arg15[%get3A_777, %get3A_778] : memref<4x2xf32, #tpu.memory_space<smem>>
    %mul3A_780 = arith.mulf %get3A_776, %get3A_779 : f32
    %get3A_781 = arith.constant 0 : index
    %get3A_782 = arith.constant 1 : index
    %get3A_783 = memref.load %arg4[%get3A_781, %get3A_782] : memref<8x4xf32, #tpu.memory_space<smem>>
    %get3A_784 = arith.constant 1 : index
    %get3A_785 = arith.constant 0 : index
    %get3A_786 = memref.load %arg15[%get3A_784, %get3A_785] : memref<4x2xf32, #tpu.memory_space<smem>>
    %mul3A_787 = arith.mulf %get3A_783, %get3A_786 : f32
    %add3A_788 = arith.addf %mul3A_780, %mul3A_787 : f32
    %get3A_789 = arith.constant 0 : index
    %get3A_790 = arith.constant 2 : index
    %get3A_791 = memref.load %arg4[%get3A_789, %get3A_790] : memref<8x4xf32, #tpu.memory_space<smem>>
    %get3A_792 = arith.constant 2 : index
    %get3A_793 = arith.constant 0 : index
    %get3A_794 = memref.load %arg15[%get3A_792, %get3A_793] : memref<4x2xf32, #tpu.memory_space<smem>>
    %mul3A_795 = arith.mulf %get3A_791, %get3A_794 : f32
    %add3A_796 = arith.addf %add3A_788, %mul3A_795 : f32
    %get3A_797 = arith.constant 0 : index
    %get3A_798 = arith.constant 3 : index
    %get3A_799 = memref.load %arg4[%get3A_797, %get3A_798] : memref<8x4xf32, #tpu.memory_space<smem>>
    %get3A_800 = arith.constant 3 : index
    %get3A_801 = arith.constant 0 : index
    %get3A_802 = memref.load %arg15[%get3A_800, %get3A_801] : memref<4x2xf32, #tpu.memory_space<smem>>
    %mul3A_803 = arith.mulf %get3A_799, %get3A_802 : f32
    %add3A_804 = arith.addf %add3A_796, %mul3A_803 : f32
    %mul3A_805 = vector.broadcast %add3A_804 : f32 to vector<512x512xf32>
    %mul3A_806 = arith.mulf %max3A_20, %mul3A_805 : vector<512x512xf32>
    %add3A_807 = vector.broadcast %add3A_773 : vector<512x1xf32> to vector<512x512xf32>
    %add3A_808 = arith.addf %add3A_807, %mul3A_806 : vector<512x512xf32>
    %get3A_809 = arith.constant 1 : index
    %get3A_810 = arith.constant 0 : index
    %get3A_811 = memref.load %arg4[%get3A_809, %get3A_810] : memref<8x4xf32, #tpu.memory_space<smem>>
    %get3A_812 = arith.constant 0 : index
    %get3A_813 = arith.constant 0 : index
    %get3A_814 = memref.load %arg15[%get3A_812, %get3A_813] : memref<4x2xf32, #tpu.memory_space<smem>>
    %mul3A_815 = arith.mulf %get3A_811, %get3A_814 : f32
    %get3A_816 = arith.constant 1 : index
    %get3A_817 = arith.constant 1 : index
    %get3A_818 = memref.load %arg4[%get3A_816, %get3A_817] : memref<8x4xf32, #tpu.memory_space<smem>>
    %get3A_819 = arith.constant 1 : index
    %get3A_820 = arith.constant 0 : index
    %get3A_821 = memref.load %arg15[%get3A_819, %get3A_820] : memref<4x2xf32, #tpu.memory_space<smem>>
    %mul3A_822 = arith.mulf %get3A_818, %get3A_821 : f32
    %add3A_823 = arith.addf %mul3A_815, %mul3A_822 : f32
    %get3A_824 = arith.constant 1 : index
    %get3A_825 = arith.constant 2 : index
    %get3A_826 = memref.load %arg4[%get3A_824, %get3A_825] : memref<8x4xf32, #tpu.memory_space<smem>>
    %get3A_827 = arith.constant 2 : index
    %get3A_828 = arith.constant 0 : index
    %get3A_829 = memref.load %arg15[%get3A_827, %get3A_828] : memref<4x2xf32, #tpu.memory_space<smem>>
    %mul3A_830 = arith.mulf %get3A_826, %get3A_829 : f32
    %add3A_831 = arith.addf %add3A_823, %mul3A_830 : f32
    %get3A_832 = arith.constant 1 : index
    %get3A_833 = arith.constant 3 : index
    %get3A_834 = memref.load %arg4[%get3A_832, %get3A_833] : memref<8x4xf32, #tpu.memory_space<smem>>
    %get3A_835 = arith.constant 3 : index
    %get3A_836 = arith.constant 0 : index
    %get3A_837 = memref.load %arg15[%get3A_835, %get3A_836] : memref<4x2xf32, #tpu.memory_space<smem>>
    %mul3A_838 = arith.mulf %get3A_834, %get3A_837 : f32
    %add3A_839 = arith.addf %add3A_831, %mul3A_838 : f32
    %mul3A_840 = vector.broadcast %add3A_839 : f32 to vector<512x512xf32>
    %mul3A_841 = arith.mulf %max3A_28, %mul3A_840 : vector<512x512xf32>
    %add3A_842 = arith.addf %add3A_808, %mul3A_841 : vector<512x512xf32>
    %get3A_843 = arith.constant 2 : index
    %get3A_844 = arith.constant 0 : index
    %get3A_845 = memref.load %arg4[%get3A_843, %get3A_844] : memref<8x4xf32, #tpu.memory_space<smem>>
    %get3A_846 = arith.constant 0 : index
    %get3A_847 = arith.constant 0 : index
    %get3A_848 = memref.load %arg15[%get3A_846, %get3A_847] : memref<4x2xf32, #tpu.memory_space<smem>>
    %mul3A_849 = arith.mulf %get3A_845, %get3A_848 : f32
    %get3A_850 = arith.constant 2 : index
    %get3A_851 = arith.constant 1 : index
    %get3A_852 = memref.load %arg4[%get3A_850, %get3A_851] : memref<8x4xf32, #tpu.memory_space<smem>>
    %get3A_853 = arith.constant 1 : index
    %get3A_854 = arith.constant 0 : index
    %get3A_855 = memref.load %arg15[%get3A_853, %get3A_854] : memref<4x2xf32, #tpu.memory_space<smem>>
    %mul3A_856 = arith.mulf %get3A_852, %get3A_855 : f32
    %add3A_857 = arith.addf %mul3A_849, %mul3A_856 : f32
    %get3A_858 = arith.constant 2 : index
    %get3A_859 = arith.constant 2 : index
    %get3A_860 = memref.load %arg4[%get3A_858, %get3A_859] : memref<8x4xf32, #tpu.memory_space<smem>>
    %get3A_861 = arith.constant 2 : index
    %get3A_862 = arith.constant 0 : index
    %get3A_863 = memref.load %arg15[%get3A_861, %get3A_862] : memref<4x2xf32, #tpu.memory_space<smem>>
    %mul3A_864 = arith.mulf %get3A_860, %get3A_863 : f32
    %add3A_865 = arith.addf %add3A_857, %mul3A_864 : f32
    %get3A_866 = arith.constant 2 : index
    %get3A_867 = arith.constant 3 : index
    %get3A_868 = memref.load %arg4[%get3A_866, %get3A_867] : memref<8x4xf32, #tpu.memory_space<smem>>
    %get3A_869 = arith.constant 3 : index
    %get3A_870 = arith.constant 0 : index
    %get3A_871 = memref.load %arg15[%get3A_869, %get3A_870] : memref<4x2xf32, #tpu.memory_space<smem>>
    %mul3A_872 = arith.mulf %get3A_868, %get3A_871 : f32
    %add3A_873 = arith.addf %add3A_865, %mul3A_872 : f32
    %mul3A_874 = vector.broadcast %add3A_873 : f32 to vector<512x512xf32>
    %mul3A_875 = arith.mulf %max3A_36, %mul3A_874 : vector<512x512xf32>
    %add3A_876 = arith.addf %add3A_842, %mul3A_875 : vector<512x512xf32>
    %get3A_877 = arith.constant 3 : index
    %get3A_878 = arith.constant 0 : index
    %get3A_879 = memref.load %arg4[%get3A_877, %get3A_878] : memref<8x4xf32, #tpu.memory_space<smem>>
    %get3A_880 = arith.constant 0 : index
    %get3A_881 = arith.constant 0 : index
    %get3A_882 = memref.load %arg15[%get3A_880, %get3A_881] : memref<4x2xf32, #tpu.memory_space<smem>>
    %mul3A_883 = arith.mulf %get3A_879, %get3A_882 : f32
    %get3A_884 = arith.constant 3 : index
    %get3A_885 = arith.constant 1 : index
    %get3A_886 = memref.load %arg4[%get3A_884, %get3A_885] : memref<8x4xf32, #tpu.memory_space<smem>>
    %get3A_887 = arith.constant 1 : index
    %get3A_888 = arith.constant 0 : index
    %get3A_889 = memref.load %arg15[%get3A_887, %get3A_888] : memref<4x2xf32, #tpu.memory_space<smem>>
    %mul3A_890 = arith.mulf %get3A_886, %get3A_889 : f32
    %add3A_891 = arith.addf %mul3A_883, %mul3A_890 : f32
    %get3A_892 = arith.constant 3 : index
    %get3A_893 = arith.constant 2 : index
    %get3A_894 = memref.load %arg4[%get3A_892, %get3A_893] : memref<8x4xf32, #tpu.memory_space<smem>>
    %get3A_895 = arith.constant 2 : index
    %get3A_896 = arith.constant 0 : index
    %get3A_897 = memref.load %arg15[%get3A_895, %get3A_896] : memref<4x2xf32, #tpu.memory_space<smem>>
    %mul3A_898 = arith.mulf %get3A_894, %get3A_897 : f32
    %add3A_899 = arith.addf %add3A_891, %mul3A_898 : f32
    %get3A_900 = arith.constant 3 : index
    %get3A_901 = arith.constant 3 : index
    %get3A_902 = memref.load %arg4[%get3A_900, %get3A_901] : memref<8x4xf32, #tpu.memory_space<smem>>
    %get3A_903 = arith.constant 3 : index
    %get3A_904 = arith.constant 0 : index
    %get3A_905 = memref.load %arg15[%get3A_903, %get3A_904] : memref<4x2xf32, #tpu.memory_space<smem>>
    %mul3A_906 = arith.mulf %get3A_902, %get3A_905 : f32
    %add3A_907 = arith.addf %add3A_899, %mul3A_906 : f32
    %mul3A_908 = vector.broadcast %add3A_907 : f32 to vector<512x512xf32>
    %mul3A_909 = arith.mulf %max3A_44, %mul3A_908 : vector<512x512xf32>
    %add3A_910 = arith.addf %add3A_876, %mul3A_909 : vector<512x512xf32>
    %get3A_911 = arith.constant 4 : index
    %get3A_912 = arith.constant 0 : index
    %get3A_913 = memref.load %arg4[%get3A_911, %get3A_912] : memref<8x4xf32, #tpu.memory_space<smem>>
    %get3A_914 = arith.constant 0 : index
    %get3A_915 = arith.constant 0 : index
    %get3A_916 = memref.load %arg15[%get3A_914, %get3A_915] : memref<4x2xf32, #tpu.memory_space<smem>>
    %mul3A_917 = arith.mulf %get3A_913, %get3A_916 : f32
    %get3A_918 = arith.constant 4 : index
    %get3A_919 = arith.constant 1 : index
    %get3A_920 = memref.load %arg4[%get3A_918, %get3A_919] : memref<8x4xf32, #tpu.memory_space<smem>>
    %get3A_921 = arith.constant 1 : index
    %get3A_922 = arith.constant 0 : index
    %get3A_923 = memref.load %arg15[%get3A_921, %get3A_922] : memref<4x2xf32, #tpu.memory_space<smem>>
    %mul3A_924 = arith.mulf %get3A_920, %get3A_923 : f32
    %add3A_925 = arith.addf %mul3A_917, %mul3A_924 : f32
    %get3A_926 = arith.constant 4 : index
    %get3A_927 = arith.constant 2 : index
    %get3A_928 = memref.load %arg4[%get3A_926, %get3A_927] : memref<8x4xf32, #tpu.memory_space<smem>>
    %get3A_929 = arith.constant 2 : index
    %get3A_930 = arith.constant 0 : index
    %get3A_931 = memref.load %arg15[%get3A_929, %get3A_930] : memref<4x2xf32, #tpu.memory_space<smem>>
    %mul3A_932 = arith.mulf %get3A_928, %get3A_931 : f32
    %add3A_933 = arith.addf %add3A_925, %mul3A_932 : f32
    %get3A_934 = arith.constant 4 : index
    %get3A_935 = arith.constant 3 : index
    %get3A_936 = memref.load %arg4[%get3A_934, %get3A_935] : memref<8x4xf32, #tpu.memory_space<smem>>
    %get3A_937 = arith.constant 3 : index
    %get3A_938 = arith.constant 0 : index
    %get3A_939 = memref.load %arg15[%get3A_937, %get3A_938] : memref<4x2xf32, #tpu.memory_space<smem>>
    %mul3A_940 = arith.mulf %get3A_936, %get3A_939 : f32
    %add3A_941 = arith.addf %add3A_933, %mul3A_940 : f32
    %mul3A_942 = vector.broadcast %add3A_941 : f32 to vector<512x512xf32>
    %mul3A_943 = arith.mulf %max3A_52, %mul3A_942 : vector<512x512xf32>
    %add3A_944 = arith.addf %add3A_910, %mul3A_943 : vector<512x512xf32>
    %get3A_945 = arith.constant 5 : index
    %get3A_946 = arith.constant 0 : index
    %get3A_947 = memref.load %arg4[%get3A_945, %get3A_946] : memref<8x4xf32, #tpu.memory_space<smem>>
    %get3A_948 = arith.constant 0 : index
    %get3A_949 = arith.constant 0 : index
    %get3A_950 = memref.load %arg15[%get3A_948, %get3A_949] : memref<4x2xf32, #tpu.memory_space<smem>>
    %mul3A_951 = arith.mulf %get3A_947, %get3A_950 : f32
    %get3A_952 = arith.constant 5 : index
    %get3A_953 = arith.constant 1 : index
    %get3A_954 = memref.load %arg4[%get3A_952, %get3A_953] : memref<8x4xf32, #tpu.memory_space<smem>>
    %get3A_955 = arith.constant 1 : index
    %get3A_956 = arith.constant 0 : index
    %get3A_957 = memref.load %arg15[%get3A_955, %get3A_956] : memref<4x2xf32, #tpu.memory_space<smem>>
    %mul3A_958 = arith.mulf %get3A_954, %get3A_957 : f32
    %add3A_959 = arith.addf %mul3A_951, %mul3A_958 : f32
    %get3A_960 = arith.constant 5 : index
    %get3A_961 = arith.constant 2 : index
    %get3A_962 = memref.load %arg4[%get3A_960, %get3A_961] : memref<8x4xf32, #tpu.memory_space<smem>>
    %get3A_963 = arith.constant 2 : index
    %get3A_964 = arith.constant 0 : index
    %get3A_965 = memref.load %arg15[%get3A_963, %get3A_964] : memref<4x2xf32, #tpu.memory_space<smem>>
    %mul3A_966 = arith.mulf %get3A_962, %get3A_965 : f32
    %add3A_967 = arith.addf %add3A_959, %mul3A_966 : f32
    %get3A_968 = arith.constant 5 : index
    %get3A_969 = arith.constant 3 : index
    %get3A_970 = memref.load %arg4[%get3A_968, %get3A_969] : memref<8x4xf32, #tpu.memory_space<smem>>
    %get3A_971 = arith.constant 3 : index
    %get3A_972 = arith.constant 0 : index
    %get3A_973 = memref.load %arg15[%get3A_971, %get3A_972] : memref<4x2xf32, #tpu.memory_space<smem>>
    %mul3A_974 = arith.mulf %get3A_970, %get3A_973 : f32
    %add3A_975 = arith.addf %add3A_967, %mul3A_974 : f32
    %mul3A_976 = vector.broadcast %add3A_975 : f32 to vector<512x512xf32>
    %mul3A_977 = arith.mulf %max3A_60, %mul3A_976 : vector<512x512xf32>
    %add3A_978 = arith.addf %add3A_944, %mul3A_977 : vector<512x512xf32>
    %get3A_979 = arith.constant 6 : index
    %get3A_980 = arith.constant 0 : index
    %get3A_981 = memref.load %arg4[%get3A_979, %get3A_980] : memref<8x4xf32, #tpu.memory_space<smem>>
    %get3A_982 = arith.constant 0 : index
    %get3A_983 = arith.constant 0 : index
    %get3A_984 = memref.load %arg15[%get3A_982, %get3A_983] : memref<4x2xf32, #tpu.memory_space<smem>>
    %mul3A_985 = arith.mulf %get3A_981, %get3A_984 : f32
    %get3A_986 = arith.constant 6 : index
    %get3A_987 = arith.constant 1 : index
    %get3A_988 = memref.load %arg4[%get3A_986, %get3A_987] : memref<8x4xf32, #tpu.memory_space<smem>>
    %get3A_989 = arith.constant 1 : index
    %get3A_990 = arith.constant 0 : index
    %get3A_991 = memref.load %arg15[%get3A_989, %get3A_990] : memref<4x2xf32, #tpu.memory_space<smem>>
    %mul3A_992 = arith.mulf %get3A_988, %get3A_991 : f32
    %add3A_993 = arith.addf %mul3A_985, %mul3A_992 : f32
    %get3A_994 = arith.constant 6 : index
    %get3A_995 = arith.constant 2 : index
    %get3A_996 = memref.load %arg4[%get3A_994, %get3A_995] : memref<8x4xf32, #tpu.memory_space<smem>>
    %get3A_997 = arith.constant 2 : index
    %get3A_998 = arith.constant 0 : index
    %get3A_999 = memref.load %arg15[%get3A_997, %get3A_998] : memref<4x2xf32, #tpu.memory_space<smem>>
    %mul3A_1000 = arith.mulf %get3A_996, %get3A_999 : f32
    %add3A_1001 = arith.addf %add3A_993, %mul3A_1000 : f32
    %get3A_1002 = arith.constant 6 : index
    %get3A_1003 = arith.constant 3 : index
    %get3A_1004 = memref.load %arg4[%get3A_1002, %get3A_1003] : memref<8x4xf32, #tpu.memory_space<smem>>
    %get3A_1005 = arith.constant 3 : index
    %get3A_1006 = arith.constant 0 : index
    %get3A_1007 = memref.load %arg15[%get3A_1005, %get3A_1006] : memref<4x2xf32, #tpu.memory_space<smem>>
    %mul3A_1008 = arith.mulf %get3A_1004, %get3A_1007 : f32
    %add3A_1009 = arith.addf %add3A_1001, %mul3A_1008 : f32
    %mul3A_1010 = vector.broadcast %add3A_1009 : f32 to vector<512x512xf32>
    %mul3A_1011 = arith.mulf %max3A_68, %mul3A_1010 : vector<512x512xf32>
    %add3A_1012 = arith.addf %add3A_978, %mul3A_1011 : vector<512x512xf32>
    %get3A_1013 = arith.constant 7 : index
    %get3A_1014 = arith.constant 0 : index
    %get3A_1015 = memref.load %arg4[%get3A_1013, %get3A_1014] : memref<8x4xf32, #tpu.memory_space<smem>>
    %get3A_1016 = arith.constant 0 : index
    %get3A_1017 = arith.constant 0 : index
    %get3A_1018 = memref.load %arg15[%get3A_1016, %get3A_1017] : memref<4x2xf32, #tpu.memory_space<smem>>
    %mul3A_1019 = arith.mulf %get3A_1015, %get3A_1018 : f32
    %get3A_1020 = arith.constant 7 : index
    %get3A_1021 = arith.constant 1 : index
    %get3A_1022 = memref.load %arg4[%get3A_1020, %get3A_1021] : memref<8x4xf32, #tpu.memory_space<smem>>
    %get3A_1023 = arith.constant 1 : index
    %get3A_1024 = arith.constant 0 : index
    %get3A_1025 = memref.load %arg15[%get3A_1023, %get3A_1024] : memref<4x2xf32, #tpu.memory_space<smem>>
    %mul3A_1026 = arith.mulf %get3A_1022, %get3A_1025 : f32
    %add3A_1027 = arith.addf %mul3A_1019, %mul3A_1026 : f32
    %get3A_1028 = arith.constant 7 : index
    %get3A_1029 = arith.constant 2 : index
    %get3A_1030 = memref.load %arg4[%get3A_1028, %get3A_1029] : memref<8x4xf32, #tpu.memory_space<smem>>
    %get3A_1031 = arith.constant 2 : index
    %get3A_1032 = arith.constant 0 : index
    %get3A_1033 = memref.load %arg15[%get3A_1031, %get3A_1032] : memref<4x2xf32, #tpu.memory_space<smem>>
    %mul3A_1034 = arith.mulf %get3A_1030, %get3A_1033 : f32
    %add3A_1035 = arith.addf %add3A_1027, %mul3A_1034 : f32
    %get3A_1036 = arith.constant 7 : index
    %get3A_1037 = arith.constant 3 : index
    %get3A_1038 = memref.load %arg4[%get3A_1036, %get3A_1037] : memref<8x4xf32, #tpu.memory_space<smem>>
    %get3A_1039 = arith.constant 3 : index
    %get3A_1040 = arith.constant 0 : index
    %get3A_1041 = memref.load %arg15[%get3A_1039, %get3A_1040] : memref<4x2xf32, #tpu.memory_space<smem>>
    %mul3A_1042 = arith.mulf %get3A_1038, %get3A_1041 : f32
    %add3A_1043 = arith.addf %add3A_1035, %mul3A_1042 : f32
    %mul3A_1044 = vector.broadcast %add3A_1043 : f32 to vector<512x512xf32>
    %mul3A_1045 = arith.mulf %max3A_76, %mul3A_1044 : vector<512x512xf32>
    %add3A_1046 = arith.addf %add3A_1012, %mul3A_1045 : vector<512x512xf32>
    %max3A_1047 = arith.constant 0.000000e+00 : f32
    %max3A_1048 = vector.broadcast %max3A_1047 : f32 to vector<512x512xf32>
    %max3A_1049 = arith.maximumf %add3A_1046, %max3A_1048 : vector<512x512xf32>
    %get3A_1050 = arith.constant 0 : index
    %get3A_1051 = memref.load %arg5[%get3A_1050] : memref<4xf32, #tpu.memory_space<smem>>
    %get3A_1052 = arith.constant 0 : index
    %get3A_1053 = arith.constant 1 : index
    %get3A_1054 = memref.load %arg15[%get3A_1052, %get3A_1053] : memref<4x2xf32, #tpu.memory_space<smem>>
    %mul3A_1055 = arith.mulf %get3A_1051, %get3A_1054 : f32
    %get3A_1056 = arith.constant 1 : index
    %get3A_1057 = memref.load %arg5[%get3A_1056] : memref<4xf32, #tpu.memory_space<smem>>
    %get3A_1058 = arith.constant 1 : index
    %get3A_1059 = arith.constant 1 : index
    %get3A_1060 = memref.load %arg15[%get3A_1058, %get3A_1059] : memref<4x2xf32, #tpu.memory_space<smem>>
    %mul3A_1061 = arith.mulf %get3A_1057, %get3A_1060 : f32
    %add3A_1062 = arith.addf %mul3A_1055, %mul3A_1061 : f32
    %get3A_1063 = arith.constant 2 : index
    %get3A_1064 = memref.load %arg5[%get3A_1063] : memref<4xf32, #tpu.memory_space<smem>>
    %get3A_1065 = arith.constant 2 : index
    %get3A_1066 = arith.constant 1 : index
    %get3A_1067 = memref.load %arg15[%get3A_1065, %get3A_1066] : memref<4x2xf32, #tpu.memory_space<smem>>
    %mul3A_1068 = arith.mulf %get3A_1064, %get3A_1067 : f32
    %add3A_1069 = arith.addf %add3A_1062, %mul3A_1068 : f32
    %get3A_1070 = arith.constant 3 : index
    %get3A_1071 = memref.load %arg5[%get3A_1070] : memref<4xf32, #tpu.memory_space<smem>>
    %get3A_1072 = arith.constant 3 : index
    %get3A_1073 = arith.constant 1 : index
    %get3A_1074 = memref.load %arg15[%get3A_1072, %get3A_1073] : memref<4x2xf32, #tpu.memory_space<smem>>
    %mul3A_1075 = arith.mulf %get3A_1071, %get3A_1074 : f32
    %add3A_1076 = arith.addf %add3A_1069, %mul3A_1075 : f32
    %slice3A_1077 = vector.extract_strided_slice %add3A_743 {offsets = [0, 1], sizes = [512, 1], strides = [1, 1]} : vector<512x2xf32> to vector<512x1xf32>
    %add3A_1078 = vector.broadcast %add3A_1076 : f32 to vector<512x1xf32>
    %add3A_1079 = arith.addf %slice3A_1077, %add3A_1078 : vector<512x1xf32>
    %get3A_1080 = arith.constant 0 : index
    %get3A_1081 = arith.constant 0 : index
    %get3A_1082 = memref.load %arg4[%get3A_1080, %get3A_1081] : memref<8x4xf32, #tpu.memory_space<smem>>
    %get3A_1083 = arith.constant 0 : index
    %get3A_1084 = arith.constant 1 : index
    %get3A_1085 = memref.load %arg15[%get3A_1083, %get3A_1084] : memref<4x2xf32, #tpu.memory_space<smem>>
    %mul3A_1086 = arith.mulf %get3A_1082, %get3A_1085 : f32
    %get3A_1087 = arith.constant 0 : index
    %get3A_1088 = arith.constant 1 : index
    %get3A_1089 = memref.load %arg4[%get3A_1087, %get3A_1088] : memref<8x4xf32, #tpu.memory_space<smem>>
    %get3A_1090 = arith.constant 1 : index
    %get3A_1091 = arith.constant 1 : index
    %get3A_1092 = memref.load %arg15[%get3A_1090, %get3A_1091] : memref<4x2xf32, #tpu.memory_space<smem>>
    %mul3A_1093 = arith.mulf %get3A_1089, %get3A_1092 : f32
    %add3A_1094 = arith.addf %mul3A_1086, %mul3A_1093 : f32
    %get3A_1095 = arith.constant 0 : index
    %get3A_1096 = arith.constant 2 : index
    %get3A_1097 = memref.load %arg4[%get3A_1095, %get3A_1096] : memref<8x4xf32, #tpu.memory_space<smem>>
    %get3A_1098 = arith.constant 2 : index
    %get3A_1099 = arith.constant 1 : index
    %get3A_1100 = memref.load %arg15[%get3A_1098, %get3A_1099] : memref<4x2xf32, #tpu.memory_space<smem>>
    %mul3A_1101 = arith.mulf %get3A_1097, %get3A_1100 : f32
    %add3A_1102 = arith.addf %add3A_1094, %mul3A_1101 : f32
    %get3A_1103 = arith.constant 0 : index
    %get3A_1104 = arith.constant 3 : index
    %get3A_1105 = memref.load %arg4[%get3A_1103, %get3A_1104] : memref<8x4xf32, #tpu.memory_space<smem>>
    %get3A_1106 = arith.constant 3 : index
    %get3A_1107 = arith.constant 1 : index
    %get3A_1108 = memref.load %arg15[%get3A_1106, %get3A_1107] : memref<4x2xf32, #tpu.memory_space<smem>>
    %mul3A_1109 = arith.mulf %get3A_1105, %get3A_1108 : f32
    %add3A_1110 = arith.addf %add3A_1102, %mul3A_1109 : f32
    %mul3A_1111 = vector.broadcast %add3A_1110 : f32 to vector<512x512xf32>
    %mul3A_1112 = arith.mulf %max3A_20, %mul3A_1111 : vector<512x512xf32>
    %add3A_1113 = vector.broadcast %add3A_1079 : vector<512x1xf32> to vector<512x512xf32>
    %add3A_1114 = arith.addf %add3A_1113, %mul3A_1112 : vector<512x512xf32>
    %get3A_1115 = arith.constant 1 : index
    %get3A_1116 = arith.constant 0 : index
    %get3A_1117 = memref.load %arg4[%get3A_1115, %get3A_1116] : memref<8x4xf32, #tpu.memory_space<smem>>
    %get3A_1118 = arith.constant 0 : index
    %get3A_1119 = arith.constant 1 : index
    %get3A_1120 = memref.load %arg15[%get3A_1118, %get3A_1119] : memref<4x2xf32, #tpu.memory_space<smem>>
    %mul3A_1121 = arith.mulf %get3A_1117, %get3A_1120 : f32
    %get3A_1122 = arith.constant 1 : index
    %get3A_1123 = arith.constant 1 : index
    %get3A_1124 = memref.load %arg4[%get3A_1122, %get3A_1123] : memref<8x4xf32, #tpu.memory_space<smem>>
    %get3A_1125 = arith.constant 1 : index
    %get3A_1126 = arith.constant 1 : index
    %get3A_1127 = memref.load %arg15[%get3A_1125, %get3A_1126] : memref<4x2xf32, #tpu.memory_space<smem>>
    %mul3A_1128 = arith.mulf %get3A_1124, %get3A_1127 : f32
    %add3A_1129 = arith.addf %mul3A_1121, %mul3A_1128 : f32
    %get3A_1130 = arith.constant 1 : index
    %get3A_1131 = arith.constant 2 : index
    %get3A_1132 = memref.load %arg4[%get3A_1130, %get3A_1131] : memref<8x4xf32, #tpu.memory_space<smem>>
    %get3A_1133 = arith.constant 2 : index
    %get3A_1134 = arith.constant 1 : index
    %get3A_1135 = memref.load %arg15[%get3A_1133, %get3A_1134] : memref<4x2xf32, #tpu.memory_space<smem>>
    %mul3A_1136 = arith.mulf %get3A_1132, %get3A_1135 : f32
    %add3A_1137 = arith.addf %add3A_1129, %mul3A_1136 : f32
    %get3A_1138 = arith.constant 1 : index
    %get3A_1139 = arith.constant 3 : index
    %get3A_1140 = memref.load %arg4[%get3A_1138, %get3A_1139] : memref<8x4xf32, #tpu.memory_space<smem>>
    %get3A_1141 = arith.constant 3 : index
    %get3A_1142 = arith.constant 1 : index
    %get3A_1143 = memref.load %arg15[%get3A_1141, %get3A_1142] : memref<4x2xf32, #tpu.memory_space<smem>>
    %mul3A_1144 = arith.mulf %get3A_1140, %get3A_1143 : f32
    %add3A_1145 = arith.addf %add3A_1137, %mul3A_1144 : f32
    %mul3A_1146 = vector.broadcast %add3A_1145 : f32 to vector<512x512xf32>
    %mul3A_1147 = arith.mulf %max3A_28, %mul3A_1146 : vector<512x512xf32>
    %add3A_1148 = arith.addf %add3A_1114, %mul3A_1147 : vector<512x512xf32>
    %get3A_1149 = arith.constant 2 : index
    %get3A_1150 = arith.constant 0 : index
    %get3A_1151 = memref.load %arg4[%get3A_1149, %get3A_1150] : memref<8x4xf32, #tpu.memory_space<smem>>
    %get3A_1152 = arith.constant 0 : index
    %get3A_1153 = arith.constant 1 : index
    %get3A_1154 = memref.load %arg15[%get3A_1152, %get3A_1153] : memref<4x2xf32, #tpu.memory_space<smem>>
    %mul3A_1155 = arith.mulf %get3A_1151, %get3A_1154 : f32
    %get3A_1156 = arith.constant 2 : index
    %get3A_1157 = arith.constant 1 : index
    %get3A_1158 = memref.load %arg4[%get3A_1156, %get3A_1157] : memref<8x4xf32, #tpu.memory_space<smem>>
    %get3A_1159 = arith.constant 1 : index
    %get3A_1160 = arith.constant 1 : index
    %get3A_1161 = memref.load %arg15[%get3A_1159, %get3A_1160] : memref<4x2xf32, #tpu.memory_space<smem>>
    %mul3A_1162 = arith.mulf %get3A_1158, %get3A_1161 : f32
    %add3A_1163 = arith.addf %mul3A_1155, %mul3A_1162 : f32
    %get3A_1164 = arith.constant 2 : index
    %get3A_1165 = arith.constant 2 : index
    %get3A_1166 = memref.load %arg4[%get3A_1164, %get3A_1165] : memref<8x4xf32, #tpu.memory_space<smem>>
    %get3A_1167 = arith.constant 2 : index
    %get3A_1168 = arith.constant 1 : index
    %get3A_1169 = memref.load %arg15[%get3A_1167, %get3A_1168] : memref<4x2xf32, #tpu.memory_space<smem>>
    %mul3A_1170 = arith.mulf %get3A_1166, %get3A_1169 : f32
    %add3A_1171 = arith.addf %add3A_1163, %mul3A_1170 : f32
    %get3A_1172 = arith.constant 2 : index
    %get3A_1173 = arith.constant 3 : index
    %get3A_1174 = memref.load %arg4[%get3A_1172, %get3A_1173] : memref<8x4xf32, #tpu.memory_space<smem>>
    %get3A_1175 = arith.constant 3 : index
    %get3A_1176 = arith.constant 1 : index
    %get3A_1177 = memref.load %arg15[%get3A_1175, %get3A_1176] : memref<4x2xf32, #tpu.memory_space<smem>>
    %mul3A_1178 = arith.mulf %get3A_1174, %get3A_1177 : f32
    %add3A_1179 = arith.addf %add3A_1171, %mul3A_1178 : f32
    %mul3A_1180 = vector.broadcast %add3A_1179 : f32 to vector<512x512xf32>
    %mul3A_1181 = arith.mulf %max3A_36, %mul3A_1180 : vector<512x512xf32>
    %add3A_1182 = arith.addf %add3A_1148, %mul3A_1181 : vector<512x512xf32>
    %get3A_1183 = arith.constant 3 : index
    %get3A_1184 = arith.constant 0 : index
    %get3A_1185 = memref.load %arg4[%get3A_1183, %get3A_1184] : memref<8x4xf32, #tpu.memory_space<smem>>
    %get3A_1186 = arith.constant 0 : index
    %get3A_1187 = arith.constant 1 : index
    %get3A_1188 = memref.load %arg15[%get3A_1186, %get3A_1187] : memref<4x2xf32, #tpu.memory_space<smem>>
    %mul3A_1189 = arith.mulf %get3A_1185, %get3A_1188 : f32
    %get3A_1190 = arith.constant 3 : index
    %get3A_1191 = arith.constant 1 : index
    %get3A_1192 = memref.load %arg4[%get3A_1190, %get3A_1191] : memref<8x4xf32, #tpu.memory_space<smem>>
    %get3A_1193 = arith.constant 1 : index
    %get3A_1194 = arith.constant 1 : index
    %get3A_1195 = memref.load %arg15[%get3A_1193, %get3A_1194] : memref<4x2xf32, #tpu.memory_space<smem>>
    %mul3A_1196 = arith.mulf %get3A_1192, %get3A_1195 : f32
    %add3A_1197 = arith.addf %mul3A_1189, %mul3A_1196 : f32
    %get3A_1198 = arith.constant 3 : index
    %get3A_1199 = arith.constant 2 : index
    %get3A_1200 = memref.load %arg4[%get3A_1198, %get3A_1199] : memref<8x4xf32, #tpu.memory_space<smem>>
    %get3A_1201 = arith.constant 2 : index
    %get3A_1202 = arith.constant 1 : index
    %get3A_1203 = memref.load %arg15[%get3A_1201, %get3A_1202] : memref<4x2xf32, #tpu.memory_space<smem>>
    %mul3A_1204 = arith.mulf %get3A_1200, %get3A_1203 : f32
    %add3A_1205 = arith.addf %add3A_1197, %mul3A_1204 : f32
    %get3A_1206 = arith.constant 3 : index
    %get3A_1207 = arith.constant 3 : index
    %get3A_1208 = memref.load %arg4[%get3A_1206, %get3A_1207] : memref<8x4xf32, #tpu.memory_space<smem>>
    %get3A_1209 = arith.constant 3 : index
    %get3A_1210 = arith.constant 1 : index
    %get3A_1211 = memref.load %arg15[%get3A_1209, %get3A_1210] : memref<4x2xf32, #tpu.memory_space<smem>>
    %mul3A_1212 = arith.mulf %get3A_1208, %get3A_1211 : f32
    %add3A_1213 = arith.addf %add3A_1205, %mul3A_1212 : f32
    %mul3A_1214 = vector.broadcast %add3A_1213 : f32 to vector<512x512xf32>
    %mul3A_1215 = arith.mulf %max3A_44, %mul3A_1214 : vector<512x512xf32>
    %add3A_1216 = arith.addf %add3A_1182, %mul3A_1215 : vector<512x512xf32>
    %get3A_1217 = arith.constant 4 : index
    %get3A_1218 = arith.constant 0 : index
    %get3A_1219 = memref.load %arg4[%get3A_1217, %get3A_1218] : memref<8x4xf32, #tpu.memory_space<smem>>
    %get3A_1220 = arith.constant 0 : index
    %get3A_1221 = arith.constant 1 : index
    %get3A_1222 = memref.load %arg15[%get3A_1220, %get3A_1221] : memref<4x2xf32, #tpu.memory_space<smem>>
    %mul3A_1223 = arith.mulf %get3A_1219, %get3A_1222 : f32
    %get3A_1224 = arith.constant 4 : index
    %get3A_1225 = arith.constant 1 : index
    %get3A_1226 = memref.load %arg4[%get3A_1224, %get3A_1225] : memref<8x4xf32, #tpu.memory_space<smem>>
    %get3A_1227 = arith.constant 1 : index
    %get3A_1228 = arith.constant 1 : index
    %get3A_1229 = memref.load %arg15[%get3A_1227, %get3A_1228] : memref<4x2xf32, #tpu.memory_space<smem>>
    %mul3A_1230 = arith.mulf %get3A_1226, %get3A_1229 : f32
    %add3A_1231 = arith.addf %mul3A_1223, %mul3A_1230 : f32
    %get3A_1232 = arith.constant 4 : index
    %get3A_1233 = arith.constant 2 : index
    %get3A_1234 = memref.load %arg4[%get3A_1232, %get3A_1233] : memref<8x4xf32, #tpu.memory_space<smem>>
    %get3A_1235 = arith.constant 2 : index
    %get3A_1236 = arith.constant 1 : index
    %get3A_1237 = memref.load %arg15[%get3A_1235, %get3A_1236] : memref<4x2xf32, #tpu.memory_space<smem>>
    %mul3A_1238 = arith.mulf %get3A_1234, %get3A_1237 : f32
    %add3A_1239 = arith.addf %add3A_1231, %mul3A_1238 : f32
    %get3A_1240 = arith.constant 4 : index
    %get3A_1241 = arith.constant 3 : index
    %get3A_1242 = memref.load %arg4[%get3A_1240, %get3A_1241] : memref<8x4xf32, #tpu.memory_space<smem>>
    %get3A_1243 = arith.constant 3 : index
    %get3A_1244 = arith.constant 1 : index
    %get3A_1245 = memref.load %arg15[%get3A_1243, %get3A_1244] : memref<4x2xf32, #tpu.memory_space<smem>>
    %mul3A_1246 = arith.mulf %get3A_1242, %get3A_1245 : f32
    %add3A_1247 = arith.addf %add3A_1239, %mul3A_1246 : f32
    %mul3A_1248 = vector.broadcast %add3A_1247 : f32 to vector<512x512xf32>
    %mul3A_1249 = arith.mulf %max3A_52, %mul3A_1248 : vector<512x512xf32>
    %add3A_1250 = arith.addf %add3A_1216, %mul3A_1249 : vector<512x512xf32>
    %get3A_1251 = arith.constant 5 : index
    %get3A_1252 = arith.constant 0 : index
    %get3A_1253 = memref.load %arg4[%get3A_1251, %get3A_1252] : memref<8x4xf32, #tpu.memory_space<smem>>
    %get3A_1254 = arith.constant 0 : index
    %get3A_1255 = arith.constant 1 : index
    %get3A_1256 = memref.load %arg15[%get3A_1254, %get3A_1255] : memref<4x2xf32, #tpu.memory_space<smem>>
    %mul3A_1257 = arith.mulf %get3A_1253, %get3A_1256 : f32
    %get3A_1258 = arith.constant 5 : index
    %get3A_1259 = arith.constant 1 : index
    %get3A_1260 = memref.load %arg4[%get3A_1258, %get3A_1259] : memref<8x4xf32, #tpu.memory_space<smem>>
    %get3A_1261 = arith.constant 1 : index
    %get3A_1262 = arith.constant 1 : index
    %get3A_1263 = memref.load %arg15[%get3A_1261, %get3A_1262] : memref<4x2xf32, #tpu.memory_space<smem>>
    %mul3A_1264 = arith.mulf %get3A_1260, %get3A_1263 : f32
    %add3A_1265 = arith.addf %mul3A_1257, %mul3A_1264 : f32
    %get3A_1266 = arith.constant 5 : index
    %get3A_1267 = arith.constant 2 : index
    %get3A_1268 = memref.load %arg4[%get3A_1266, %get3A_1267] : memref<8x4xf32, #tpu.memory_space<smem>>
    %get3A_1269 = arith.constant 2 : index
    %get3A_1270 = arith.constant 1 : index
    %get3A_1271 = memref.load %arg15[%get3A_1269, %get3A_1270] : memref<4x2xf32, #tpu.memory_space<smem>>
    %mul3A_1272 = arith.mulf %get3A_1268, %get3A_1271 : f32
    %add3A_1273 = arith.addf %add3A_1265, %mul3A_1272 : f32
    %get3A_1274 = arith.constant 5 : index
    %get3A_1275 = arith.constant 3 : index
    %get3A_1276 = memref.load %arg4[%get3A_1274, %get3A_1275] : memref<8x4xf32, #tpu.memory_space<smem>>
    %get3A_1277 = arith.constant 3 : index
    %get3A_1278 = arith.constant 1 : index
    %get3A_1279 = memref.load %arg15[%get3A_1277, %get3A_1278] : memref<4x2xf32, #tpu.memory_space<smem>>
    %mul3A_1280 = arith.mulf %get3A_1276, %get3A_1279 : f32
    %add3A_1281 = arith.addf %add3A_1273, %mul3A_1280 : f32
    %mul3A_1282 = vector.broadcast %add3A_1281 : f32 to vector<512x512xf32>
    %mul3A_1283 = arith.mulf %max3A_60, %mul3A_1282 : vector<512x512xf32>
    %add3A_1284 = arith.addf %add3A_1250, %mul3A_1283 : vector<512x512xf32>
    %get3A_1285 = arith.constant 6 : index
    %get3A_1286 = arith.constant 0 : index
    %get3A_1287 = memref.load %arg4[%get3A_1285, %get3A_1286] : memref<8x4xf32, #tpu.memory_space<smem>>
    %get3A_1288 = arith.constant 0 : index
    %get3A_1289 = arith.constant 1 : index
    %get3A_1290 = memref.load %arg15[%get3A_1288, %get3A_1289] : memref<4x2xf32, #tpu.memory_space<smem>>
    %mul3A_1291 = arith.mulf %get3A_1287, %get3A_1290 : f32
    %get3A_1292 = arith.constant 6 : index
    %get3A_1293 = arith.constant 1 : index
    %get3A_1294 = memref.load %arg4[%get3A_1292, %get3A_1293] : memref<8x4xf32, #tpu.memory_space<smem>>
    %get3A_1295 = arith.constant 1 : index
    %get3A_1296 = arith.constant 1 : index
    %get3A_1297 = memref.load %arg15[%get3A_1295, %get3A_1296] : memref<4x2xf32, #tpu.memory_space<smem>>
    %mul3A_1298 = arith.mulf %get3A_1294, %get3A_1297 : f32
    %add3A_1299 = arith.addf %mul3A_1291, %mul3A_1298 : f32
    %get3A_1300 = arith.constant 6 : index
    %get3A_1301 = arith.constant 2 : index
    %get3A_1302 = memref.load %arg4[%get3A_1300, %get3A_1301] : memref<8x4xf32, #tpu.memory_space<smem>>
    %get3A_1303 = arith.constant 2 : index
    %get3A_1304 = arith.constant 1 : index
    %get3A_1305 = memref.load %arg15[%get3A_1303, %get3A_1304] : memref<4x2xf32, #tpu.memory_space<smem>>
    %mul3A_1306 = arith.mulf %get3A_1302, %get3A_1305 : f32
    %add3A_1307 = arith.addf %add3A_1299, %mul3A_1306 : f32
    %get3A_1308 = arith.constant 6 : index
    %get3A_1309 = arith.constant 3 : index
    %get3A_1310 = memref.load %arg4[%get3A_1308, %get3A_1309] : memref<8x4xf32, #tpu.memory_space<smem>>
    %get3A_1311 = arith.constant 3 : index
    %get3A_1312 = arith.constant 1 : index
    %get3A_1313 = memref.load %arg15[%get3A_1311, %get3A_1312] : memref<4x2xf32, #tpu.memory_space<smem>>
    %mul3A_1314 = arith.mulf %get3A_1310, %get3A_1313 : f32
    %add3A_1315 = arith.addf %add3A_1307, %mul3A_1314 : f32
    %mul3A_1316 = vector.broadcast %add3A_1315 : f32 to vector<512x512xf32>
    %mul3A_1317 = arith.mulf %max3A_68, %mul3A_1316 : vector<512x512xf32>
    %add3A_1318 = arith.addf %add3A_1284, %mul3A_1317 : vector<512x512xf32>
    %get3A_1319 = arith.constant 7 : index
    %get3A_1320 = arith.constant 0 : index
    %get3A_1321 = memref.load %arg4[%get3A_1319, %get3A_1320] : memref<8x4xf32, #tpu.memory_space<smem>>
    %get3A_1322 = arith.constant 0 : index
    %get3A_1323 = arith.constant 1 : index
    %get3A_1324 = memref.load %arg15[%get3A_1322, %get3A_1323] : memref<4x2xf32, #tpu.memory_space<smem>>
    %mul3A_1325 = arith.mulf %get3A_1321, %get3A_1324 : f32
    %get3A_1326 = arith.constant 7 : index
    %get3A_1327 = arith.constant 1 : index
    %get3A_1328 = memref.load %arg4[%get3A_1326, %get3A_1327] : memref<8x4xf32, #tpu.memory_space<smem>>
    %get3A_1329 = arith.constant 1 : index
    %get3A_1330 = arith.constant 1 : index
    %get3A_1331 = memref.load %arg15[%get3A_1329, %get3A_1330] : memref<4x2xf32, #tpu.memory_space<smem>>
    %mul3A_1332 = arith.mulf %get3A_1328, %get3A_1331 : f32
    %add3A_1333 = arith.addf %mul3A_1325, %mul3A_1332 : f32
    %get3A_1334 = arith.constant 7 : index
    %get3A_1335 = arith.constant 2 : index
    %get3A_1336 = memref.load %arg4[%get3A_1334, %get3A_1335] : memref<8x4xf32, #tpu.memory_space<smem>>
    %get3A_1337 = arith.constant 2 : index
    %get3A_1338 = arith.constant 1 : index
    %get3A_1339 = memref.load %arg15[%get3A_1337, %get3A_1338] : memref<4x2xf32, #tpu.memory_space<smem>>
    %mul3A_1340 = arith.mulf %get3A_1336, %get3A_1339 : f32
    %add3A_1341 = arith.addf %add3A_1333, %mul3A_1340 : f32
    %get3A_1342 = arith.constant 7 : index
    %get3A_1343 = arith.constant 3 : index
    %get3A_1344 = memref.load %arg4[%get3A_1342, %get3A_1343] : memref<8x4xf32, #tpu.memory_space<smem>>
    %get3A_1345 = arith.constant 3 : index
    %get3A_1346 = arith.constant 1 : index
    %get3A_1347 = memref.load %arg15[%get3A_1345, %get3A_1346] : memref<4x2xf32, #tpu.memory_space<smem>>
    %mul3A_1348 = arith.mulf %get3A_1344, %get3A_1347 : f32
    %add3A_1349 = arith.addf %add3A_1341, %mul3A_1348 : f32
    %mul3A_1350 = vector.broadcast %add3A_1349 : f32 to vector<512x512xf32>
    %mul3A_1351 = arith.mulf %max3A_76, %mul3A_1350 : vector<512x512xf32>
    %add3A_1352 = arith.addf %add3A_1318, %mul3A_1351 : vector<512x512xf32>
    %max3A_1353 = arith.constant 0.000000e+00 : f32
    %max3A_1354 = vector.broadcast %max3A_1353 : f32 to vector<512x512xf32>
    %max3A_1355 = arith.maximumf %add3A_1352, %max3A_1354 : vector<512x512xf32>
    %get3A_1356 = arith.constant 0 : index
    %get3A_1357 = memref.load %arg16[%get3A_1356] : memref<2xf32, #tpu.memory_space<smem>>
    %mul3A_1358 = vector.broadcast %get3A_1357 : f32 to vector<512x512xf32>
    %mul3A_1359 = arith.mulf %max3A_1049, %mul3A_1358 : vector<512x512xf32>
    %get3A_1360 = arith.constant 1 : index
    %get3A_1361 = memref.load %arg16[%get3A_1360] : memref<2xf32, #tpu.memory_space<smem>>
    %mul3A_1362 = vector.broadcast %get3A_1361 : f32 to vector<512x512xf32>
    %mul3A_1363 = arith.mulf %max3A_1355, %mul3A_1362 : vector<512x512xf32>
    %add3A_1364 = arith.addf %mul3A_1359, %mul3A_1363 : vector<512x512xf32>
    %get3A_1365 = arith.constant 0 : index
    %get3A_1366 = memref.load %arg17[%get3A_1365] : memref<1xf32, #tpu.memory_space<smem>>
    %add3A_1367 = vector.broadcast %get3A_1366 : f32 to vector<512x512xf32>
    %add3A_1368 = arith.addf %add3A_1364, %add3A_1367 : vector<512x512xf32>
    %neg3A_1369 = arith.constant 0.000000e+00 : f32
    %neg3A_1370 = vector.broadcast %neg3A_1369 : f32 to vector<512x512xf32>
    %neg3A_1371 = arith.subf %neg3A_1370, %add3A_1368 : vector<512x512xf32>
    %exp3A_1372 = math.exp %neg3A_1371 : vector<512x512xf32>
    %add3A_1373 = arith.constant 1.000000e+00 : f32
    %add3A_1374 = vector.broadcast %add3A_1373 : f32 to vector<512x512xf32>
    %add3A_1375 = arith.addf %add3A_1374, %exp3A_1372 : vector<512x512xf32>
    %div3A_1376 = arith.constant 1.000000e+00 : f32
    %div3A_1377 = vector.broadcast %div3A_1376 : f32 to vector<512x512xf32>
    %div3A_1378 = arith.divf %div3A_1377, %add3A_1375 : vector<512x512xf32>
    %get3A_1379 = arith.constant 0 : index
    %get3A_1380 = arith.constant 0 : index
    %get3A_1381 = vector.load %arg18[%get3A_1379, %get3A_1380] : memref<64x64xf32, #tpu.memory_space<vmem>>, vector<64x64xf32>
    %dot_general3A_1382 = arith.constant dense<0.000000e+00> : vector<512x64xf32>
    %dot_general3A_1383 = tpu.matmul %max3A_733, %get3A_1381, %dot_general3A_1382 {dimension_numbers = #tpu.dot_dimension_numbers<[1], [0], [0], [1], [0, 0, 1, 1], [], []>, transpose_lhs_hint = false} : vector<512x64xf32>, vector<64x64xf32>, vector<512x64xf32> -> vector<512x64xf32>
    %get3A_1384 = arith.constant 0 : index
    %get3A_1385 = arith.constant 0 : index
    %get3A_1386 = vector.load %arg19[%get3A_1384, %get3A_1385] : memref<1x64xf32, #tpu.memory_space<vmem>>, vector<1x64xf32>
    %add3A_1387 = vector.broadcast %get3A_1386 : vector<1x64xf32> to vector<512x64xf32>
    %add3A_1388 = arith.addf %dot_general3A_1383, %add3A_1387 : vector<512x64xf32>
    %jit3A_1389 = arith.constant 0.000000e+00 : f32
    %broadcast_in_dim3A_1390 = vector.broadcast %jit3A_1389 : f32 to vector<512x512xf32>
    %select_n3A_1391 = arith.select %ne3A, %div3A_1378, %broadcast_in_dim3A_1390 : vector<512x512xi1>, vector<512x512xf32>
    %dot_general3A_1392 = arith.constant dense<0.000000e+00> : vector<512x64xf32>
    %dot_general3A_1393 = tpu.matmul %select_n3A_1391, %add3A_1388, %dot_general3A_1392 {dimension_numbers = #tpu.dot_dimension_numbers<[0], [0], [1], [1], [0, 1, 1, 1], [], []>, transpose_lhs_hint = false} : vector<512x512xf32>, vector<512x64xf32>, vector<512x64xf32> -> vector<512x64xf32>
    %swap3A = arith.constant 0 : index
    %swap3A_1394 = arith.constant 0 : index
    %swap3A_1395 = vector.load %arg20[%swap3A, %swap3A_1394] : memref<512x64xf32, #tpu.memory_space<vmem>>, vector<512x64xf32>
    tpu.vector_store %arg20[%swap3A, %swap3A_1394], %dot_general3A_1393 {strides = array<i32>} : memref<512x64xf32, #tpu.memory_space<vmem>>, vector<512x64xf32>,
    %swap3A_1396 = arith.constant 0 : index
    %swap3A_1397 = arith.constant 0 : index
    %swap3A_1398 = arith.constant 0 : index
    %swap3A_1399 = vector.load %arg21[%swap3A_1396, %swap3A_1397, %swap3A_1398] : memref<2x512x512xf32, #tpu.memory_space<vmem>>, vector<1x512x512xf32>
    %swap3A_1400 = vector.shape_cast %swap3A_1399 : vector<1x512x512xf32> to vector<512x512xf32>
    %swap3A_1401 = vector.shape_cast %div3A_1378 : vector<512x512xf32> to vector<1x512x512xf32>
    tpu.vector_store %arg21[%swap3A_1396, %swap3A_1397, %swap3A_1398], %swap3A_1401 {strides = array<i32>} : memref<2x512x512xf32, #tpu.memory_space<vmem>>, vector<1x512x512xf32>,
    %transpose3A = tpu.transpose %div3A_1378, [1, 0] : vector<512x512xf32> -> vector<512x512xf32>
    %swap3A_1402 = arith.constant 1 : index
    %swap3A_1403 = arith.constant 0 : index
    %swap3A_1404 = arith.constant 0 : index
    %swap3A_1405 = vector.load %arg21[%swap3A_1402, %swap3A_1403, %swap3A_1404] : memref<2x512x512xf32, #tpu.memory_space<vmem>>, vector<1x512x512xf32>
    %swap3A_1406 = vector.shape_cast %swap3A_1405 : vector<1x512x512xf32> to vector<512x512xf32>
    %swap3A_1407 = vector.shape_cast %transpose3A : vector<512x512xf32> to vector<1x512x512xf32>
    tpu.vector_store %arg21[%swap3A_1402, %swap3A_1403, %swap3A_1404], %swap3A_1407 {strides = array<i32>} : memref<2x512x512xf32, #tpu.memory_space<vmem>>, vector<1x512x512xf32>,
    return
  }
}

</mosaic_0001>

<sc_bundles>
// kernel: kernel.4.cloned.1.call-start
scs
__scs_entry_jumppad:
0x0: {  	(pc) =	sbr.rel $0x88, $3  }
0x1: {  	(tag) =	ssettag $0x0;
	lr =	simm.s32 $0x1  }
0x2: {  	[smem:$0x3F90] =	sst lr;
	_ =	strace $0xD0000000  }
0x3: {  	_ = 	snop  }
0x4: {  	_ = 	snop  }
0x5: {  	_ = 	snop  }
0x6: {  	_ = 	snop  }
0x7: {  	_ = 	snop  }
__scs_overlays_trampoline_lowered:
0x8: {  	[smem:$0x3F9F] =	sst s0  }
0x9: {  	[smem:$0x3FA0] =	sst s1  }
0xa: {  	[smem:$0x3FA1] =	sst s2  }
0xb: {  	[smem:$0x3FA2] =	sst s3  }
0xc: {  	[smem:$0x3FA3] =	sst s4  }
0xd: {  	[smem:$0x3FA4] =	sst s5  }
0xe: {  	[smem:$0x3FA5] =	sst s6  }
0xf: {  	[smem:$0x3FA6] =	sst s7  }
0x10: {  	[smem:$0x3FA7] =	sst s8  }
0x11: {  	[smem:$0x3FA8] =	sst s9;
	s0 =	simm.s32 @!p0 $0x0  }
0x12: {  	s1 =	sld [smem:$0x3F8E];
	s0 =	simm.s32 @p0 $0x1  }
0x13: {  	[smem:$0x3FA9] =	sst s0;
	s0 =	simm.s32 @!p1 $0x0  }
0x14: {  	s2 =	sld [smem:$0x3F8D];
	s0 =	simm.s32 @p1 $0x1  }
0x15: {  	[smem:$0x3FAA] =	sst s0;
	s0 =	simm.s32 @!p2 $0x0  }
0x16: {  	s3 =	sld [smem:$0x3FDB];
	s0 =	simm.s32 @p2 $0x1  }
0x17: {  	s4 =	simm.s32 $0x1BF5;
	[smem:$0x3FAC] =	sst s0  }
0x18: {  	s0 =	sld [smem:$0x3F8F];
	_ =	swait.ge [sflag:s4], $0x0  }
0x19: {  	s7 =	sld [smem:$0x3F90]  }
0x1a: {  	s8 =	sadd.s32 $0xFFFFE003, lr  }
0x1b: {  	s9 =	sadd.s32 $0xFFFFFEF7, lr;
	s5 =	simm.s32 $0xFFFFFFFF;
	p2 =	slt.u32 s8, $0xFFFFF086  }
0x1c: {  	p1 =	slt.u32 s9, $0xF7A;
	s5 =	simm.s32 @!p2 $0x0  }
0x1d: {  	s5 =	simm.s32 @p1 $0x1;
	p0 =	seq.s32 s7, s2  }
0x1e: {  	s7 =	smul.u32 @!p0 $0xF7A, s2;
	p2 =	seq.s32 @!p0 s5, $0x0  }
0x1f: {  	s9 =	smul.u32 $0xF7A, s1;
	s8 =	simm.s32 @!p0 $0x1BF5;
	p2 =	por !p2, p0  }
0x20: {  	[sflag:s8] =	ssyncset.s32 @!p0 $0xFFFFF086;
	s6 =	sadd.s32 @!p0 s3, s7;
	s7 =	simm.s32 @!p0 $0x108  }
0x21: {  	s3 =	sadd.s32 s3, s9;
	s6 =	sadd.s32 @!p0 $0x88, s6;
	s7 =	simm.s32 @p2 $0x1082  }
0x22: {  	[simem:s7], [sflag:s8] =	dma.local @!p0 [hbm:s6], $0xF7A  }
0x23: {  	s9 =	sor.u32 $0xD0000000, s2;
	s6 =	simm.s32 $0x108;
	_ =	swait.ge @!p0 [sflag:s8], $0x0  }
0x24: {  	s3 =	sadd.s32 $0x88, s3;
	s6 =	simm.s32 @!p1 $0x1082;
	[sflag:s4] =	ssyncset.s32 $0xFFFFF086  }
0x25: {  	[simem:s6], [sflag:s4] =	dma.local [hbm:s3], $0xF7A  }
0x26: {  	[smem:$0x3F90] =	sst s1;
	(tag) =	ssettag s2;
	_ =	strace s9  }
0x27: {  	s1 =	sld [smem:$0x3FA0]  }
0x28: {  	s2 =	sld [smem:$0x3FA1]  }
0x29: {  	s4 =	sld [smem:$0x3FA3]  }
0x2a: {  	p0 =	seq.s32 s5, $0x0;
	s5 =	sld [smem:$0x3FA4]  }
0x2b: {  	s6 =	sld [smem:$0x3FA5]  }
0x2c: {  	s7 =	sld [smem:$0x3FA6]  }
0x2d: {  	s3 =	simm.s32 $0x108;
	s8 =	sld [smem:$0x3FA7]  }
0x2e: {  	s3 =	simm.s32 @!p0 $0x1082;
	s9 =	sld [smem:$0x3FA8]  }
0x2f: {  	lr =	sadd.s32 s0, s3;
	s0 =	sld [smem:$0x3F9F]  }
0x30: {  	s3 =	sld [smem:$0x3FA2]  }
0x31: {  	[smem:$0x3FAB] =	sst s10  }
0x32: {  	s10 =	sld [smem:$0x3FA9];
	_ =	sdelay $0x3  }
0x33: {  	p0 =	seq.s32 s10, $0x1;
	s10 =	sld [smem:$0x3FAB];
	_ =	sdelay $0x3  }
0x34: {  	[smem:$0x3FAB] =	sst s10  }
0x35: {  	s10 =	sld [smem:$0x3FAA];
	_ =	sdelay $0x3  }
0x36: {  	p1 =	seq.s32 s10, $0x1;
	s10 =	sld [smem:$0x3FAB];
	_ =	sdelay $0x3  }
0x37: {  	[smem:$0x3FAB] =	sst s10  }
0x38: {  	s10 =	sld [smem:$0x3FAC]  }
0x39: {  	_ = 	snop;
	(pc) =	sbr.ind lr, $3  }
0x3a: {  	_ = 	snop  }
0x3b: {  	_ = 	snop  }
0x3c: {  	p2 =	seq.s32 s10, $0x1;
	s10 =	sld [smem:$0x3FAB]  }
0x3d: {  	_ =	shalt  }
0x3e: {  	_ =	shalt  }
0x3f: {  	_ =	shalt  }
0x40: {  	_ =	shalt  }
0x41: {  	_ =	shalt  }
0x42: {  	_ =	shalt  }
0x43: {  	_ =	shalt  }
0x44: {  	_ =	shalt  }
0x45: {  	_ =	shalt  }
0x46: {  	_ =	shalt  }
0x47: {  	_ =	shalt  }
0x48: {  	_ =	shalt  }
0x49: {  	_ =	shalt  }
0x4a: {  	_ =	shalt  }
0x4b: {  	_ =	shalt  }
0x4c: {  	_ =	shalt  }
0x4d: {  	_ =	shalt  }
0x4e: {  	_ =	shalt  }
0x4f: {  	_ =	shalt  }
0x50: {  	_ =	shalt  }
0x51: {  	_ =	shalt  }
0x52: {  	_ =	shalt  }
0x53: {  	_ =	shalt  }
0x54: {  	_ =	shalt  }
0x55: {  	_ =	shalt  }
0x56: {  	_ =	shalt  }
0x57: {  	_ =	shalt  }
0x58: {  	_ =	shalt  }
0x59: {  	_ =	shalt  }
0x5a: {  	_ =	shalt  }
0x5b: {  	_ =	shalt  }
0x5c: {  	_ =	shalt  }
0x5d: {  	_ =	shalt  }
0x5e: {  	_ =	shalt  }
0x5f: {  	_ =	shalt  }
0x60: {  	_ =	shalt  }
0x61: {  	_ =	shalt  }
0x62: {  	_ =	shalt  }
0x63: {  	_ =	shalt  }
0x64: {  	_ =	shalt  }
0x65: {  	_ =	shalt  }
0x66: {  	_ =	shalt  }
0x67: {  	_ =	shalt  }
0x68: {  	_ =	shalt  }
0x69: {  	_ =	shalt  }
0x6a: {  	_ =	shalt  }
0x6b: {  	_ =	shalt  }
0x6c: {  	_ =	shalt  }
0x6d: {  	_ =	shalt  }
0x6e: {  	_ =	shalt  }
0x6f: {  	_ =	shalt  }
0x70: {  	_ =	shalt  }
0x71: {  	_ =	shalt  }
0x72: {  	_ =	shalt  }
0x73: {  	_ =	shalt  }
0x74: {  	_ =	shalt  }
0x75: {  	_ =	shalt  }
0x76: {  	_ =	shalt  }
0x77: {  	_ =	shalt  }
0x78: {  	_ =	shalt  }
0x79: {  	_ =	shalt  }
0x7a: {  	_ =	shalt  }
0x7b: {  	_ =	shalt  }
0x7c: {  	_ =	shalt  }
0x7d: {  	_ =	shalt  }
0x7e: {  	_ =	shalt  }
0x7f: {  	_ =	shalt  }
0x80: {  	_ =	shalt  }
0x81: {  	_ =	shalt  }
0x82: {  	_ =	shalt  }
0x83: {  	_ =	shalt  }
0x84: {  	_ =	shalt  }
0x85: {  	_ =	shalt  }
0x86: {  	_ =	shalt  }
0x87: {  	_ =	shalt  }
.Lfunc_end0:
.L_simem_size_0:
called_computation_lowered:
.L_overlay_start_0:
0x88: {  	s2 =	sld [smem:$0x3FD9]  }
0x89: {  	s3 =	sld [smem:$0x3FFE];
	_ =	sdelay $0x1  }
0x8a: {  	s1 =	srdreg.scid  }
0x8b: {  	s0 =	sand.u32 $0x1, s1  }
0x8c: {  	s14 =	sshll.u32 s0, $0xA;
	s2 =	sadd.s32 s3, s2  }
0x8d: {  	s2 =	sadd.s32 s2, s14  }
0x8e: {  	[smem:$0x3FB7] =	sst s2  }
0x8f: {  	_ = 	snop  }
0x90: {  	s2 =	sld [smem:$0x3FD0];
	_ =	sdelay $0x2  }
0x91: {  	s15 =	simm.s32 $0xA;
	s4 =	simm.s32 $0x10  }
0x92: {  	[smem:s4], [sflag:s15] =	dma.local [hbm:s2], $0x1  }
0x93: {  	_ =	swait.eq [sflag:s15], $0x1  }
0x94: {  	[sflag:s15] =	ssyncset.done $0x0  }
0x95: {  	[sflag:s15] =	ssyncadd.s32 $0xFFFFFFFF  }
0x96: {  	s16 =	sld [smem:$0x11];
	(tm) =	ssettm $0x1  }
0x97: {  	s17 =	sld [smem:$0x3FFB];
	_ =	sdelay $0x3  }
0x98: {  	_ =	strace s17  }
0x99: {  	s3 =	sld [smem:$0x3FFC];
	_ =	sdelay $0x3  }
0x9a: {  	_ =	strace s3  }
0x9b: {  	s3 =	sld [smem:$0x3FFD];
	_ =	sdelay $0x3  }
0x9c: {  	_ =	strace s3  }
0x9d: {  	_ =	strace $0x8FFFFFFF  }
0x9e: {  	s18 =	sld [smem:$0x3FDB];
	_ =	sdelay $0x1  }
0x9f: {  	s19 =	simm.s32 $_scs_section_size  }
0xa0: {  	s5 =	simm.s32 $_size__tile_overlayer_lowered;
	s6 =	simm.s32 $_tile_overlayer_lowered  }
0xa1: {  	s22 =	simm.s32 $0x1BFF;
	s21 =	sshll.u32 s6, $0x1;
	s3 =	sadd.s32 s19, s18  }
0xa2: {  	s7 =	simm.s32 $0x0;
	s20 =	sshll.u32 s5, $0x1;
	s5 =	sadd.s32 s21, s3  }
0xa3: {  	[timem:s7], [sflag:s22] =	dma.local [hbm:s5], s20  }
0xa4: {  	_ =	swait.ge [sflag:s22], s20  }
0xa5: {  	s4 =	ssub.s32 $0x0, s20;
	[sflag:s22] =	ssyncset.done $0x0  }
0xa6: {  	[sflag:s22] =	ssyncadd.s32 s4;
	_ =	sdelay $0x1  }
0xa7: {  	s23 =	simm.s32 $0x1B8B  }
0xa8: {  	_ =	swait.ge [sflag:s23], $0x1  }
0xa9: {  	[sflag:s23] =	ssyncset.done $0x0  }
0xaa: {  	s25 =	simm.s32 $0x1B8E;
	s24 =	sld [smem:$0x3FFE];
	[sflag:s23] =	ssyncadd.s32 $0xFFFFFFFF  }
0xab: {  	s26 =	simm.s32 $execute0_lowered;
	[smem:$0x3FD2] =	sst s25  }
0xac: {  	s5 =	sshll.u32 s26, $0x1;
	_ =	strace $0x80000046;
	[dreg:$0x1] =	wrdreg $0xFFFFFFFF  }
0xad: {  	s28 =	simm.s32 $_size_execute0_lowered;
	s3 =	sadd.s32 s3, s5;
	[dreg:$0x0] =	wrdreg $0x0  }
0xae: {  	s5 =	sshll.u32 s28, $0x1;
	[dreg:$0x2] =	wrdreg s3  }
0xaf: {  	[dreg:$0x3] =	wrdreg s5  }
0xb0: {  	[dreg:$0x4] =	wrdreg $0xC0  }
0xb1: {  	_ =	task [dreg:s7], $0x5FFFF  }
0xb2: {  	[dreg:$0x1] =	wrdreg $0xFFFFFFFF  }
0xb3: {  	[dreg:$0x0] =	wrdreg $0x60  }
0xb4: {  	[dreg:$0x2] =	wrdreg s24  }
0xb5: {  	[dreg:$0x3] =	wrdreg s16  }
0xb6: {  	[dreg:$0x4] =	wrdreg $0x9  }
0xb7: {  	_ =	task.clear_ibuf [dreg:s7], $0x5FFFF;
	_ =	strace $0x90000046  }
0xb8: {  	s29 =	simm.s32 $0x9;
	_ =	strace $0x80000048  }
0xb9: {  	_ =	swait.ge [sflag:s29], $0x1  }
0xba: {  	[sflag:s29] =	ssyncadd.s32 $0xFFFFFFFF  }
0xbb: {  	_ =	strace $0x90000048  }
0xbc: {  	_ =	sfence  }
0xbd: {  	s30 =	sld [smem:$0x0];
	_ =	sdelay $0x2  }
0xbe: {  	s31 =	sshll.u32 s1, $0xD;
	s1 =	sshrl.u32 s1, $0x2  }
0xbf: {  	s3 =	sand.u32 $0x4000, s31;
	s1 =	sadd.s32 s1, s30  }
0xc0: {  	s0 =	sor.u32 s3, s0;
	s1 =	sshll.u32 s1, $0x11  }
0xc1: {  	s0 =	sor.u32 s1, s0  }
0xc2: {  	s0 =	sadd.s32 $0x8F2B, s0  }
0xc3: {  	[sflag:s0] =	ssyncadd.remote.s32 $0x1  }
0xc4: {  	_ =	sfence.sel $0xFFFF  }
0xc5: {  	[dreg:$0x0] =	wrdreg $0xFFFFFFFF;
	(pc) =	sbr.abs _section_cstart, $3  }
0xc6: {  	[dreg:$0x1] =	wrdreg $0xFFFFFFFF  }
0xc7: {  	_ =	task.clear_ibuf [dreg:s7], $0x2FFFF;
	_ =	strace $0x9FFFFFFF  }
0xc8: {  	(tm) =	ssettm $0x7FFFFFFF  }
0xc9: {  	_ =	shalt  }
tec
execute0_lowered:
.L_overlay_start_1:
0x0: {  	(tag) =	ssettag $0x1  }
0x1: {  	s1 =	srdreg.scid;
	s7 =	rddreg [dreg:$0x0]  }
0x2: {  	s0 =	stileid.u32;
	s9 =	simm.s32 $0x238;
	s8 =	rddreg [dreg:$0x1]  }
0x3: {  	s2 =	simm.s32 $0x0;
	s12 =	simm.s32 $0x10000;
	s13 =	simm.s32 $0x2  }
0x4: {  	s14 =	simm.s32 $0x1;
	s15 =	simm.s32 $0x12000;
	s16 =	simm.s32 $0x0  }
0x5: {  	s4 =	sand.u32 $0x1, s1;
	s28 =	sshll.u32 s0, $0x1;
	p0 =	sgt.u32 s0, $0x7  }
0x6: {  	[smem:$0x7FF] =	sst s2;
	s3 =	sadd.s32 $0x1A00, s7;
	s5 =	sor.u32 s4, s28  }
0x7: {  	s10 =	ssub.s32 $0x2, s4;
	s4 =	simm.s32 $0x3;
	s1 =	sadd.s32 $0xFFFFFFF0, s5  }
0x8: {  	s6 =	smul.u32 $0x3FE, s5;
	s11 =	sshrl.u32 s10, $0x1;
	s5 =	smov.u32 @p0 s1  }
0x9: {  	s1 =	rddreg [dreg:$0x2];
	_ =	strace $0x80000047;
	p1 =	seq.s32 s5, $0x1  }
0xa: {  	s10 =	ssub.s32 s10, s11;
	s9 =	simm.s32 @!p1 $0x0;
	p1 =	seq.s32 s5, $0x2  }
0xb: {  	s29 =	sand.u32 $0xFFFFFFFE, s5;
	s9 =	simm.s32 @p1 $0x2500;
	p1 =	seq.s32 s5, $0x3  }
0xc: {  	s7 =	sadd.s32 s6, s7;
	s9 =	simm.s32 @p1 $0x4930;
	p1 =	seq.s32 s5, $0x4  }
0xd: {  	s30 =	sshll.u32 s5, $0xD;
	s9 =	simm.s32 @p1 $0x6F00;
	p1 =	seq.s32 s5, $0x5  }
0xe: {  	s31 =	sshll.u32 s5, $0x7;
	s9 =	simm.s32 @p1 $0x96A0;
	p1 =	seq.s32 s5, $0x6  }
0xf: {  	s6 =	sand.u32 $0xFFFF0000, s30;
	s9 =	simm.s32 @p1 $0xBFD0;
	p1 =	seq.s32 s5, $0x7  }
0x10: {  	s11 =	sand.u32 $0x380, s31;
	s9 =	simm.s32 @p1 $0xEBC0;
	p1 =	seq.s32 s5, $0x8  }
0x11: {  	s7 =	sadd.s32 $0x11A00, s7;
	s9 =	simm.s32 @p1 $0x11AF0;
	p1 =	seq.s32 s5, $0x9  }
0x12: {  	s6 =	sor.u32 s11, s6;
	s9 =	simm.s32 @p1 $0x14D20;
	p1 =	seq.s32 s5, $0xA  }
0x13: {  	s11 =	simm.s32 $0x40000;
	s9 =	simm.s32 @p1 $0x18388;
	p1 =	seq.s32 s5, $0xB  }
0x14: {  	s6 =	sshrl.u32 s6, $0x3;
	s9 =	simm.s32 @p1 $0x1BFC0;
	p1 =	seq.s32 s5, $0xC  }
0x15: {  	s11 =	simm.s32 @!p0 $0x0;
	s9 =	simm.s32 @p1 $0x1E528;
	p1 =	seq.s32 s5, $0xD  }
0x16: {  	s6 =	sadd.s32 s8, s6;
	s9 =	simm.s32 @p1 $0x235C8;
	p1 =	seq.s32 s29, $0xC  }
0x17: {  	s8 =	smax.u32 s10, $0x1;
	s4 =	simm.s32 @!p1 $0x2;
	p1 =	seq.s32 s5, $0xE  }
0x18: {  	s9 =	simm.s32 @p1 $0x27FD0;
	s4 =	simm.s32 @p1 $0x4;
	p1 =	seq.s32 s5, $0xF  }
0x19: {  	s10 =	simm.s32 $0x80;
	s5 =	simm.s32 $0x3;
	s9 =	simm.s32 @p1 $0x2FE00  }
0x1a: {  	s4 =	simm.s32 @p1 $0x8;
	s9 =	sadd.s32 s11, s9;
	s11 =	simm.s32 $0x400  }
.LBB2_1:
0x1b: {  	[tilespmem:s12], [sflag:$0x2] =	stream.strided.gather [hbm4b:s6+s10], $0x2000, s11, s10, $0x38;
	[tilespmem:$0x14000] =	vst v63  }
0x1c: {  	p0 =	sne.s32 s4, $0x1  }
.Ltmp0:
0x1d: {  	_ = 	snop;
	(pc) =	sbr.rel @!p0 .LBB2_3-.Ltmp0, $4  }
0x1e: {  	s17 =	sshrl.u32 s9, $0x3  }
0x1f: {  	s17 =	sadd.s32 s3, s17  }
0x20: {  	[tilespmem:s2], [sflag:$0x1] =	stream.linear.gather [hbm4b:s17+s2], $0x2000, $0x38;
	[tilespmem:$0x14000] =	vst v63  }
0x21: {  	s18 =	sadd.s32 $0x2000, s9;
	s19 =	simm.s32 $0x0;
	s17 =	sadd.s32 $0xFFFFFFFF, s4  }
.LBB2_2:
0x22: {  	s20 =	sshrl.u32 s18, $0x3;
	p0 =	sne.s32 s17, $0x1;
	s17 =	sadd.s32 $0xFFFFFFFF, s17  }
.Ltmp1:
0x23: {  	s19 =	sadd.s32 $0x2000, s19;
	s20 =	sadd.s32 s3, s20;
	(pc) =	sbr.rel @p0 .LBB2_2-.Ltmp1, $3  }
0x24: {  	[tilespmem:s19], [sflag:$0x1] =	stream.linear.gather [hbm4b:s20+s2], $0x2000, $0x38;
	[tilespmem:$0x14000] =	vst v63  }
0x25: {  	_ =	sdelay $0x1  }
0x26: {  	s18 =	sadd.s32 $0x2000, s18  }
.LBB2_3:
0x27: {  	_ =	swait.ge [sflag:s13], $0x2000  }
0x28: {  	[sflag:s13] =	ssyncset.done $0x0  }
0x29: {  	s17 =	smov.u32 s4;
	[sflag:s13] =	ssyncadd.s32 $0xFFFFE000  }
.LBB2_4:
0x2a: {  	p0 =	sne.s32 s17, $0x1  }
.Ltmp2:
0x2b: {  	_ = 	snop;
	(pc) =	sbr.rel @p0 .LBB2_4-.Ltmp2, $4  }
0x2c: {  	_ = 	snop  }
0x2d: {  	_ =	swait.ge [sflag:s14], $0x2000  }
0x2e: {  	[sflag:s14] =	ssyncset.done $0x0  }
0x2f: {  	s17 =	sadd.s32 $0xFFFFFFFF, s17;
	[sflag:s14] =	ssyncadd.s32 $0xFFFFE000  }
0x30: {  	s17 =	simm.s32 $0x0  }
0x31: {  	v0 =	vld [tilespmem:s17+$0x10000];
	_ =	sdelay $0x6  }
0x32: {  	v1 =	vld [tilespmem:s17+$0x10010]  }
0x33: {  	v0 =	vld.idx.msk [tilespmem:v0+s2+$0x0], $0xffff;
	_ =	sdelay $0x4  }
0x34: {  	[tilespmem:s17+$0x12000] =	vst v0;
	v0 =	vld [tilespmem:s17+$0x10020];
	_ =	sdelay $0x1  }
0x35: {  	v1 =	vld.idx.msk [tilespmem:v1+s2+$0x0], $0xffff;
	_ =	sdelay $0x4  }
0x36: {  	[tilespmem:s17+$0x12010] =	vst v1;
	v1 =	vld [tilespmem:s17+$0x10030]  }
0x37: {  	v0 =	vld.idx.msk [tilespmem:v0+s2+$0x0], $0xffff;
	_ =	sdelay $0x4  }
0x38: {  	[tilespmem:s17+$0x12020] =	vst v0;
	v0 =	vld [tilespmem:s17+$0x10040];
	_ =	sdelay $0x1  }
0x39: {  	v1 =	vld.idx.msk [tilespmem:v1+s2+$0x0], $0xffff;
	_ =	sdelay $0x4  }
0x3a: {  	[tilespmem:s17+$0x12030] =	vst v1;
	v1 =	vld [tilespmem:s17+$0x10050]  }
0x3b: {  	v0 =	vld.idx.msk [tilespmem:v0+s2+$0x0], $0xffff;
	_ =	sdelay $0x4  }
0x3c: {  	[tilespmem:s17+$0x12040] =	vst v0;
	v0 =	vld [tilespmem:s17+$0x10060];
	_ =	sdelay $0x1  }
0x3d: {  	v1 =	vld.idx.msk [tilespmem:v1+s2+$0x0], $0xffff;
	_ =	sdelay $0x3  }
0x3e: {  	s19 =	simm.s32 $0x70;
	s18 =	simm.s32 $0x380  }
.LBB2_6:
0x3f: {  	p0 =	sne.s32 s18, $0x7E00;
	v2 =	vld [tilespmem:s19+$0x10000];
	[tilespmem:s17+$0x12050] =	vst v1  }
0x40: {  	v0 =	vld.idx.msk [tilespmem:v0+s2+$0x0], $0xffff;
	_ =	sdelay $0x5  }
0x41: {  	v1 =	vld [tilespmem:s19+$0x10010];
	[tilespmem:s17+$0x12060] =	vst v0;
	s17 =	smov.u32 s19  }
0x42: {  	v0 =	vld.idx.msk [tilespmem:v2+s2+$0x0], $0xffff;
	_ =	sdelay $0x5  }
0x43: {  	[tilespmem:s17+$0x12000] =	vst v0;
	v0 =	vld [tilespmem:s17+$0x10020]  }
0x44: {  	v1 =	vld.idx.msk [tilespmem:v1+s2+$0x0], $0xffff;
	_ =	sdelay $0x5  }
0x45: {  	[tilespmem:s17+$0x12010] =	vst v1;
	v1 =	vld [tilespmem:s17+$0x10030]  }
0x46: {  	v0 =	vld.idx.msk [tilespmem:v0+s2+$0x0], $0xffff;
	_ =	sdelay $0x5  }
0x47: {  	[tilespmem:s17+$0x12020] =	vst v0;
	v0 =	vld [tilespmem:s17+$0x10040]  }
0x48: {  	v1 =	vld.idx.msk [tilespmem:v1+s2+$0x0], $0xffff;
	_ =	sdelay $0x5  }
0x49: {  	[tilespmem:s17+$0x12030] =	vst v1;
	v1 =	vld [tilespmem:s17+$0x10050]  }
0x4a: {  	v0 =	vld.idx.msk [tilespmem:v0+s2+$0x0], $0xffff;
	_ =	sdelay $0x5  }
0x4b: {  	[tilespmem:s17+$0x12040] =	vst v0;
	v0 =	vld [tilespmem:s17+$0x10060]  }
0x4c: {  	v1 =	vld.idx.msk [tilespmem:v1+s2+$0x0], $0xffff  }
.Ltmp3:
0x4d: {  	(pc) =	sbr.rel @p0 .LBB2_6-.Ltmp3, $2  }
0x4e: {  	_ =	sdelay $0x2  }
0x4f: {  	s19 =	sshra.s32 s18, $0x2;
	s18 =	sadd.s32 $0x1C0, s18  }
0x50: {  	_ =	sdelay $0x1  }
0x51: {  	v2 =	vld [tilespmem:s19+$0x10000]  }
0x52: {  	[tilespmem:s17+$0x12050] =	vst v1  }
0x53: {  	v0 =	vld.idx.msk [tilespmem:v0+s2+$0x0], $0xffff;
	_ =	sdelay $0x3  }
0x54: {  	v1 =	vld [tilespmem:s19+$0x10010]  }
0x55: {  	[tilespmem:s17+$0x12060] =	vst v0  }
0x56: {  	v0 =	vld.idx.msk [tilespmem:v2+s2+$0x0], $0xffff;
	_ =	sdelay $0x3  }
0x57: {  	v59 =	vld [tilespmem:s19+$0x10020]  }
0x58: {  	[tilespmem:s19+$0x12000] =	vst v0  }
0x59: {  	v1 =	vld.idx.msk [tilespmem:v1+s2+$0x0], $0xffff;
	_ =	sdelay $0x3  }
0x5a: {  	v60 =	vld [tilespmem:s19+$0x10030]  }
0x5b: {  	[tilespmem:s19+$0x12010] =	vst v1  }
0x5c: {  	v0 =	vld.idx.msk [tilespmem:v59+s2+$0x0], $0xffff;
	_ =	sdelay $0x3  }
0x5d: {  	v61 =	vld [tilespmem:s19+$0x10040]  }
0x5e: {  	[tilespmem:s19+$0x12020] =	vst v0  }
0x5f: {  	v1 =	vld.idx.msk [tilespmem:v60+s2+$0x0], $0xffff;
	_ =	sdelay $0x3  }
0x60: {  	v62 =	vld [tilespmem:s19+$0x10050]  }
0x61: {  	[tilespmem:s19+$0x12030] =	vst v1  }
0x62: {  	v0 =	vld.idx.msk [tilespmem:v61+s2+$0x0], $0xffff;
	_ =	sdelay $0x3  }
0x63: {  	v63 =	vld [tilespmem:s19+$0x10060]  }
0x64: {  	[tilespmem:s19+$0x12040] =	vst v0  }
0x65: {  	v1 =	vld.idx.msk [tilespmem:v62+s2+$0x0], $0xffff;
	_ =	sdelay $0x4  }
0x66: {  	[tilespmem:s19+$0x12050] =	vst v1  }
0x67: {  	v0 =	vld.idx.msk [tilespmem:v63+s2+$0x0], $0xffff;
	_ =	sdelay $0x2  }
0x68: {  	s16 =	sadd.s32 $0x1, s16  }
0x69: {  	p0 =	sne.s32 s16, s8  }
.Ltmp4:
0x6a: {  	[tilespmem:s19+$0x12060] =	vst v0;
	(pc) =	sbr.rel @p0 .LBB2_1-.Ltmp4, $4  }
0x6b: {  	[hbm4b:s7+s2] =	stream.linear.scatter [tilespmem:s15], [sflag:$0x3], $0x1FF0, $0x38;
	[tilespmem:$0x14000] =	vst v63  }
0x6c: {  	_ =	swait.ge [sflag:s5], $0x1FF0  }
0x6d: {  	[sflag:s5] =	ssyncset.done $0x0  }
0x6e: {  	[sflag:s5] =	ssyncadd.s32 $0xFFFFE010  }
0x6f: {  	_ =	sfence.sel $0x180000  }
0x70: {  	[bflag:$0x0] =	sbarrier.arrive $0xFFFF  }
0x71: {  	p0 =	sne.s32 s0, $0x0;
	_ =	strace $0x90000047  }
0x72: {  	s0 =	sadd.s32 @!p0 $0x100000, s1;
	[bflag:$0x2] =	sbarrier.arrive $0xFFFF  }
0x73: {  	[sflag:s0] =	ssyncadd.tile.s32 @!p0 $0x1;
	_ =	shalt  }
.Lfunc_end2:
_tile_overlayer_lowered:
.L_overlay_start_2:
0x74: {  	(tag) =	ssettag $0x2  }
0x75: {  	s0 =	rddreg [dreg:$0x0];
	s2 =	stileid.u32  }
0x76: {  	s1 =	rddreg [dreg:$0x1];
	p0 =	sne.s32 s2, $0x0  }
0x77: {  	s3 =	rddreg [dreg:$0x2];
	[bflag:$0x3] =	sbarrier.arrive $0xFFFF;
	s2 =	simm.s32 @!p0 $0x1C03  }
0x78: {  	[timem:s3], [sflag:s2] =	dma.local @!p0 [hbm:s0], s1  }
0x79: {  	s0 =	simm.s32 @!p0 $0x3  }
0x7a: {  	_ =	swait.ge @!p0 [sflag:s0], s1  }
0x7b: {  	s1 =	ssub.s32 @!p0 $0x0, s1;
	[sflag:s0] =	ssyncset.done @!p0 $0x0  }
0x7c: {  	[sflag:s0] =	ssyncadd.s32 @!p0 s1  }
0x7d: {  	[bflag:$0x3] =	sbarrier.arrive $0xFFFF  }
0x7e: {  	_ =	shalt  }

</sc_bundles>
